<compile_context>
chip_gen: v7x
topology: tpu7x:2x2x1
jax: 0.10.2.dev20260603
libtpu: 0.0.44.dev20260713+nightly
codegen_flags: <defaults>
</compile_context>

<pallas_src>
import functools

import jax
import jax.numpy as jnp
from jax import lax
from jax.experimental import pallas as pl
from jax.experimental.pallas import tpu as pltpu
from jax.experimental.pallas import tpu_sc as plsc

N = 10000
E = 320000
DF = 128
DE = 16
H = 128

NC = 2
NS = 16
NW = NC * NS
EPW = E // NW
CHUNK = 128
NCHUNK = 80
EPAD = NCHUNK * CHUNK - EPW
RPW = 320
NROWS = NW * RPW


def _zero_share(zbuf, acc, base):
    pltpu.sync_copy(zbuf, acc.at[pl.ds(base, CHUNK)])
    pltpu.sync_copy(zbuf, acc.at[pl.ds(base + CHUNK, CHUNK)])
    pltpu.sync_copy(zbuf.at[pl.ds(0, RPW - 2 * CHUNK)],
                    acc.at[pl.ds(base + 2 * CHUNK, RPW - 2 * CHUNK)])


def _read_share(acc, buf, out_hbm, cid, base):
    for lo, n in ((0, CHUNK), (CHUNK, CHUNK), (2 * CHUNK, RPW - 2 * CHUNK)):
        pltpu.sync_copy(acc.at[pl.ds(base + lo, n)], buf.at[pl.ds(0, n)])
        pltpu.sync_copy(buf.at[pl.ds(0, n)], out_hbm.at[cid, pl.ds(base + lo, n)])


def _sc_degree_body(dsts, ones, zeros, out, didx, obuf, acc):
    cid = lax.axis_index("c")
    sid = lax.axis_index("s")
    w = cid * NS + sid
    base = sid * RPW
    pltpu.sync_copy(dsts.at[w], didx)
    pltpu.sync_copy(zeros, obuf)
    _zero_share(obuf, acc, base)
    pltpu.sync_copy(ones, obuf)
    plsc.subcore_barrier()

    @pl.loop(0, NCHUNK)
    def _(j):
        pltpu.sync_copy(obuf, acc.at[didx.at[j]], add=True)

    plsc.subcore_barrier()
    _read_share(acc, obuf, out, cid, base)


def _sc_scatter_body(g, srcs, dsts, zeros, out, sidx, didx, rows, acc, sem0):
    cid = lax.axis_index("c")
    sid = lax.axis_index("s")
    w = cid * NS + sid
    base = sid * RPW
    pltpu.sync_copy(srcs.at[w], sidx)
    pltpu.sync_copy(dsts.at[w], didx)
    pltpu.sync_copy(zeros, rows)
    _zero_share(rows, acc, base)
    plsc.subcore_barrier()

    @pl.loop(0, NCHUNK)
    def _(j):
        pltpu.async_copy(g.at[sidx.at[j]], rows, sem0).wait()
        pltpu.sync_copy(rows, acc.at[didx.at[j]], add=True)

    plsc.subcore_barrier()
    _read_share(acc, rows, out, cid, base)



BN = 400
BE = 2000


def _dinv_of(d_ref):
    deg = d_ref[0, :, :1] + d_ref[1, :, :1] + 1.0
    return lax.rsqrt(deg)


def _tc_g1_body(x_ref, w_ref, d_ref, o_ref):
    h = jnp.dot(x_ref[...], w_ref[...], preferred_element_type=jnp.float32)
    o_ref[...] = h * _dinv_of(d_ref)


def _tc_g2_body(s_ref, g1_ref, d_ref, b1_ref, w2_ref, o_ref):
    dinv = _dinv_of(d_ref)
    node = (s_ref[0] + s_ref[1] + g1_ref[...]) * dinv + b1_ref[...]
    node = jnp.maximum(node, 0.0)
    h = jnp.dot(node, w2_ref[...], preferred_element_type=jnp.float32)
    o_ref[...] = h * dinv


def _tc_out_body(s_ref, g2_ref, d_ref, b2_ref, o_ref):
    dinv = _dinv_of(d_ref)
    o_ref[...] = (s_ref[0] + s_ref[1] + g2_ref[...]) * dinv + b2_ref[...]


def _tc_edge_body(a_ref, w1_ref, b1_ref, w2_ref, b2_ref, o_ref):
    hmid = jnp.dot(a_ref[...], w1_ref[...], preferred_element_type=jnp.float32)
    hmid = jnp.maximum(hmid + b1_ref[...], 0.0)
    o_ref[...] = (
        jnp.dot(hmid, w2_ref[...], preferred_element_type=jnp.float32)
        + b2_ref[...]
    )


def _row_spec(width):
    return pl.BlockSpec((BN, width), lambda i: (i, 0))


_D_SPEC = pl.BlockSpec((NC, BN, H), lambda i: (0, i, 0))
_S_SPEC = pl.BlockSpec((NC, BN, H), lambda i: (0, i, 0))
_FULL = pl.BlockSpec((H, H), lambda i: (0, 0))
_BIAS = pl.BlockSpec((1, H), lambda i: (0, 0))

_tc_g1 = pl.pallas_call(
    _tc_g1_body,
    grid=(N // BN,),
    in_specs=[_row_spec(DF), _FULL, _D_SPEC],
    out_specs=_row_spec(H),
    out_shape=jax.ShapeDtypeStruct((N, H), jnp.float32),
)

_tc_g2 = pl.pallas_call(
    _tc_g2_body,
    grid=(N // BN,),
    in_specs=[_S_SPEC, _row_spec(H), _D_SPEC, _BIAS, _FULL],
    out_specs=_row_spec(H),
    out_shape=jax.ShapeDtypeStruct((N, H), jnp.float32),
)

_tc_out = pl.pallas_call(
    _tc_out_body,
    grid=(N // BN,),
    in_specs=[_S_SPEC, _row_spec(H), _D_SPEC, _BIAS],
    out_specs=_row_spec(H),
    out_shape=jax.ShapeDtypeStruct((N, H), jnp.float32),
)

_tc_edge = pl.pallas_call(
    _tc_edge_body,
    grid=(E // BE,),
    in_specs=[
        pl.BlockSpec((BE, DE), lambda i: (i, 0)),
        pl.BlockSpec((DE, H), lambda i: (0, 0)),
        _BIAS,
        _FULL,
        _BIAS,
    ],
    out_specs=pl.BlockSpec((BE, H), lambda i: (i, 0)),
    out_shape=jax.ShapeDtypeStruct((E, H), jnp.float32),
)


@functools.lru_cache(maxsize=None)
def _sc_kernels():
    mesh = plsc.VectorSubcoreMesh(
        core_axis_name="c", subcore_axis_name="s",
        num_cores=NC, num_subcores=NS,
    )
    sc_degree = pl.kernel(
        _sc_degree_body,
        out_type=jax.ShapeDtypeStruct((NC, NROWS, H), jnp.float32),
        mesh=mesh,
        scratch_types=[
            pltpu.VMEM((NCHUNK, CHUNK), jnp.int32),
            pltpu.VMEM((CHUNK, H), jnp.float32),
            pltpu.VMEM_SHARED((NROWS, H), jnp.float32),
        ],
    )
    sc_scatter = pl.kernel(
        _sc_scatter_body,
        out_type=jax.ShapeDtypeStruct((NC, NROWS, H), jnp.float32),
        mesh=mesh,
        scratch_types=[
            pltpu.VMEM((NCHUNK, CHUNK), jnp.int32),
            pltpu.VMEM((NCHUNK, CHUNK), jnp.int32),
            pltpu.VMEM((CHUNK, H), jnp.float32),
            pltpu.VMEM_SHARED((NROWS, H), jnp.float32),
            pltpu.SemaphoreType.DMA,
        ],
    )
    return sc_degree, sc_scatter


def kernel(x, edge_index, edge_attr, W1, b1, W2, b2, We1, be1, We2, be2):
    _sc_degree, _sc_scatter = _sc_kernels()
    src = edge_index[0].astype(jnp.int32)
    dst = edge_index[1].astype(jnp.int32)
    srcs = jnp.pad(src.reshape(NW, EPW), ((0, 0), (0, EPAD)))
    srcs = srcs.reshape(NW, NCHUNK, CHUNK)
    dsts = jnp.pad(dst.reshape(NW, EPW), ((0, 0), (0, EPAD)),
                   constant_values=N)
    dsts = dsts.reshape(NW, NCHUNK, CHUNK)
    ones128 = jnp.ones((CHUNK, H), jnp.float32)
    zer128 = jnp.zeros((CHUNK, H), jnp.float32)

    edge_emb = _tc_edge(edge_attr, We1, be1.reshape(1, H), We2,
                        be2.reshape(1, H))

    d16 = _sc_degree(dsts, ones128, zer128)[:, :N]
    g1 = _tc_g1(x, W1, d16)
    s1 = _sc_scatter(g1, srcs, dsts, zer128)[:, :N]
    g2 = _tc_g2(s1, g1, d16, b1.reshape(1, H), W2)
    s2 = _sc_scatter(g2, srcs, dsts, zer128)[:, :N]
    node_emb = _tc_out(s2, g2, d16, b2.reshape(1, H))
    return (node_emb, edge_emb)

# --- scband reference (transcript-rebuilt; emitter-appended) ---
"""Pipeline reference for scband-graph-embedding-gnn-7782480740907 (READ-ONLY COPY).

The authoritative reference and input builder live on the scoring server;
editing this copy changes nothing except your own understanding.
"""

import jax, jax.numpy as jnp
import numpy as np

N = 10000
E = 320000
D_FEAT = 128
D_EDGE = 16
HIDDEN = 128


def _gcn_conv(x, edge_index, W, b):
    # Faithful to PyG GCNConv defaults: add self loops, symmetric normalization.
    n = x.shape[0]
    loops = jnp.arange(n, dtype=edge_index.dtype)
    src = jnp.concatenate([edge_index[0], loops])
    dst = jnp.concatenate([edge_index[1], loops])
    ones = jnp.ones(src.shape[0], dtype=x.dtype)
    deg = jnp.zeros((n,), dtype=x.dtype).at[dst].add(ones)
    dinv = jnp.where(deg > 0, 1.0 / jnp.sqrt(deg), 0.0)
    norm = dinv[src] * dinv[dst]
    h = x @ W
    msgs = h[src] * norm[:, None]
    out = jnp.zeros((n, W.shape[1]), dtype=x.dtype).at[dst].add(msgs)
    return out + b


def setup_inputs(seed: int = 0) -> dict:
    key = jax.random.key(seed)
    ks = jax.random.split(key, 12)
    x = jax.random.normal(ks[0], (N, D_FEAT), dtype=jnp.float32)
    edge_index = jax.random.randint(ks[1], (2, E), 0, N).astype(jnp.int64)
    edge_attr = jax.random.normal(ks[2], (E, D_EDGE), dtype=jnp.float32)
    W1 = jax.random.normal(ks[3], (D_FEAT, HIDDEN), dtype=jnp.float32) * 0.05
    b1 = jnp.zeros((HIDDEN,), dtype=jnp.float32)
    W2 = jax.random.normal(ks[4], (HIDDEN, HIDDEN), dtype=jnp.float32) * 0.05
    b2 = jnp.zeros((HIDDEN,), dtype=jnp.float32)
    We1 = jax.random.normal(ks[5], (D_EDGE, HIDDEN), dtype=jnp.float32) * 0.05
    be1 = jnp.zeros((HIDDEN,), dtype=jnp.float32)
    We2 = jax.random.normal(ks[6], (HIDDEN, HIDDEN), dtype=jnp.float32) * 0.05
    be2 = jnp.zeros((HIDDEN,), dtype=jnp.float32)
    return {"x": x, "edge_index": edge_index, "edge_attr": edge_attr,
            "W1": W1, "b1": b1, "W2": W2, "b2": b2,
            "We1": We1, "be1": be1, "We2": We2, "be2": be2}


def reference(x, edge_index, edge_attr, W1, b1, W2, b2, We1, be1, We2, be2):
    # num_layers=2 GCN stack with ReLU between layers (not after last)
    node_emb = _gcn_conv(x, edge_index, W1, b1)
    node_emb = jax.nn.relu(node_emb)
    node_emb = _gcn_conv(node_emb, edge_index, W2, b2)
    # edge encoder: Linear -> ReLU -> Linear
    edge_emb = jax.nn.relu(edge_attr @ We1 + be1) @ We2 + be2
    return (node_emb, edge_emb)

if __name__ == "__main__":
    import jax
    _d = setup_inputs()
    print(jax.jit(kernel)(*tuple(_d.values())))

</pallas_src>

<mosaic_0001>
#map = affine_map<(d0, d1) -> (0, 0)>
#map1 = affine_map<(d0, d1) -> (0, 0, 0)>
module attributes {stable_mosaic.version = 14 : i64} {
  func.func @_sc_scatter_body(%arg0: i32, %arg1: i32, %arg2: memref<10000x128xf32, #tpu.memory_space<hbm>>, %arg3: memref<32x80x128xi32, #tpu.memory_space<hbm>>, %arg4: memref<32x80x128xi32, #tpu.memory_space<hbm>>, %arg5: memref<128x128xf32, #tpu.memory_space<hbm>>, %arg6: memref<2x10240x128xf32, #tpu.memory_space<hbm>>, %arg7: memref<80x128xi32, #tpu.memory_space<vmem>>, %arg8: memref<80x128xi32, #tpu.memory_space<vmem>>, %arg9: memref<128x128xf32, #tpu.memory_space<vmem>>, %arg10: memref<10240x128xf32, #tpu.memory_space<vmem_shared>>, %arg11: memref<!tpu.dma_semaphore, #tpu.memory_space<semaphore_mem>>) attributes {dimension_semantics = [#tpu.dimension_semantics<core_parallel>, #tpu.dimension_semantics<subcore_parallel>], iteration_bounds = array<i64: 2, 16>, scalar_prefetch = 0 : i64, scratch_operands = 5 : i64, tpu.core_type = #tpu.core_type<sc_vector_subcore>, window_params = [{transform_indices = #map}, {transform_indices = #map1}, {transform_indices = #map1}, {transform_indices = #map}, {transform_indices = #map1}]} {
    %mul3A = arith.constant 16 : i32
    %mul3A_0 = arith.muli %arg0, %mul3A : i32
    %add3A = arith.addi %mul3A_0, %arg1 : i32
    %mul3A_1 = arith.constant 320 : i32
    %mul3A_2 = arith.muli %arg1, %mul3A_1 : i32
    "tpu.region"() ({
      %run_scoped3A = tpu.sem_alloc : memref<!tpu.dma_semaphore, #tpu.memory_space<semaphore_mem>>
      %dma_start3A = arith.constant 0 : i32
      %dma_start3A_24 = arith.constant 0 : i32
      %dma_start3A_25 = tpu.memref_slice %arg3[%add3A, %dma_start3A, %dma_start3A_24] : memref<32x80x128xi32, #tpu.memory_space<hbm>> -> memref<1x80x128xi32, #tpu.memory_space<hbm>>
      %dma_start3A_26 = tpu.memref_squeeze %dma_start3A_25 : memref<1x80x128xi32, #tpu.memory_space<hbm>> -> memref<80x128xi32, #tpu.memory_space<hbm>>
      %dma_start3A_27 = arith.constant 0 : i32
      %dma_start3A_28 = arith.constant 0 : i32
      %dma_start3A_29 = tpu.memref_slice %arg3[%add3A, %dma_start3A_27, %dma_start3A_28] : memref<32x80x128xi32, #tpu.memory_space<hbm>> -> memref<1x80x128xi32, #tpu.memory_space<hbm>>
      %dma_start3A_30 = tpu.memref_squeeze %dma_start3A_29 : memref<1x80x128xi32, #tpu.memory_space<hbm>> -> memref<80x128xi32, #tpu.memory_space<hbm>>
      tpu.enqueue_dma source(%dma_start3A_30 : memref<80x128xi32, #tpu.memory_space<hbm>>) target(%arg7 : memref<80x128xi32, #tpu.memory_space<vmem>>) target_semaphore(%run_scoped3A : memref<!tpu.dma_semaphore, #tpu.memory_space<semaphore_mem>>)
      %dma_wait3A = arith.constant 0 : i32
      %dma_wait3A_31 = arith.constant 0 : i32
      %dma_wait3A_32 = tpu.memref_slice %arg3[%add3A, %dma_wait3A, %dma_wait3A_31] : memref<32x80x128xi32, #tpu.memory_space<hbm>> -> memref<1x80x128xi32, #tpu.memory_space<hbm>>
      %dma_wait3A_33 = tpu.memref_squeeze %dma_wait3A_32 : memref<1x80x128xi32, #tpu.memory_space<hbm>> -> memref<80x128xi32, #tpu.memory_space<hbm>>
      %dma_wait3A_34 = arith.constant 0 : i32
      %dma_wait3A_35 = arith.constant 0 : i32
      %dma_wait3A_36 = tpu.memref_slice %arg3[%add3A, %dma_wait3A_34, %dma_wait3A_35] : memref<32x80x128xi32, #tpu.memory_space<hbm>> -> memref<1x80x128xi32, #tpu.memory_space<hbm>>
      %dma_wait3A_37 = tpu.memref_squeeze %dma_wait3A_36 : memref<1x80x128xi32, #tpu.memory_space<hbm>> -> memref<80x128xi32, #tpu.memory_space<hbm>>
      tpu.wait_dma2 semaphore(%run_scoped3A : memref<!tpu.dma_semaphore, #tpu.memory_space<semaphore_mem>>) src(%dma_wait3A_37 : memref<80x128xi32, #tpu.memory_space<hbm>>) dst(%arg7 : memref<80x128xi32, #tpu.memory_space<vmem>>)
      tpu.yield
    }) : () -> ()
    "tpu.region"() ({
      %run_scoped3A = tpu.sem_alloc : memref<!tpu.dma_semaphore, #tpu.memory_space<semaphore_mem>>
      %dma_start3A = arith.constant 0 : i32
      %dma_start3A_24 = arith.constant 0 : i32
      %dma_start3A_25 = tpu.memref_slice %arg4[%add3A, %dma_start3A, %dma_start3A_24] : memref<32x80x128xi32, #tpu.memory_space<hbm>> -> memref<1x80x128xi32, #tpu.memory_space<hbm>>
      %dma_start3A_26 = tpu.memref_squeeze %dma_start3A_25 : memref<1x80x128xi32, #tpu.memory_space<hbm>> -> memref<80x128xi32, #tpu.memory_space<hbm>>
      %dma_start3A_27 = arith.constant 0 : i32
      %dma_start3A_28 = arith.constant 0 : i32
      %dma_start3A_29 = tpu.memref_slice %arg4[%add3A, %dma_start3A_27, %dma_start3A_28] : memref<32x80x128xi32, #tpu.memory_space<hbm>> -> memref<1x80x128xi32, #tpu.memory_space<hbm>>
      %dma_start3A_30 = tpu.memref_squeeze %dma_start3A_29 : memref<1x80x128xi32, #tpu.memory_space<hbm>> -> memref<80x128xi32, #tpu.memory_space<hbm>>
      tpu.enqueue_dma source(%dma_start3A_30 : memref<80x128xi32, #tpu.memory_space<hbm>>) target(%arg8 : memref<80x128xi32, #tpu.memory_space<vmem>>) target_semaphore(%run_scoped3A : memref<!tpu.dma_semaphore, #tpu.memory_space<semaphore_mem>>)
      %dma_wait3A = arith.constant 0 : i32
      %dma_wait3A_31 = arith.constant 0 : i32
      %dma_wait3A_32 = tpu.memref_slice %arg4[%add3A, %dma_wait3A, %dma_wait3A_31] : memref<32x80x128xi32, #tpu.memory_space<hbm>> -> memref<1x80x128xi32, #tpu.memory_space<hbm>>
      %dma_wait3A_33 = tpu.memref_squeeze %dma_wait3A_32 : memref<1x80x128xi32, #tpu.memory_space<hbm>> -> memref<80x128xi32, #tpu.memory_space<hbm>>
      %dma_wait3A_34 = arith.constant 0 : i32
      %dma_wait3A_35 = arith.constant 0 : i32
      %dma_wait3A_36 = tpu.memref_slice %arg4[%add3A, %dma_wait3A_34, %dma_wait3A_35] : memref<32x80x128xi32, #tpu.memory_space<hbm>> -> memref<1x80x128xi32, #tpu.memory_space<hbm>>
      %dma_wait3A_37 = tpu.memref_squeeze %dma_wait3A_36 : memref<1x80x128xi32, #tpu.memory_space<hbm>> -> memref<80x128xi32, #tpu.memory_space<hbm>>
      tpu.wait_dma2 semaphore(%run_scoped3A : memref<!tpu.dma_semaphore, #tpu.memory_space<semaphore_mem>>) src(%dma_wait3A_37 : memref<80x128xi32, #tpu.memory_space<hbm>>) dst(%arg8 : memref<80x128xi32, #tpu.memory_space<vmem>>)
      tpu.yield
    }) : () -> ()
    "tpu.region"() ({
      %run_scoped3A = tpu.sem_alloc : memref<!tpu.dma_semaphore, #tpu.memory_space<semaphore_mem>>
      tpu.enqueue_dma source(%arg5 : memref<128x128xf32, #tpu.memory_space<hbm>>) target(%arg9 : memref<128x128xf32, #tpu.memory_space<vmem>>) target_semaphore(%run_scoped3A : memref<!tpu.dma_semaphore, #tpu.memory_space<semaphore_mem>>)
      tpu.wait_dma2 semaphore(%run_scoped3A : memref<!tpu.dma_semaphore, #tpu.memory_space<semaphore_mem>>) src(%arg5 : memref<128x128xf32, #tpu.memory_space<hbm>>) dst(%arg9 : memref<128x128xf32, #tpu.memory_space<vmem>>)
      tpu.yield
    }) : () -> ()
    "tpu.region"() ({
      %run_scoped3A = tpu.sem_alloc : memref<!tpu.dma_semaphore, #tpu.memory_space<semaphore_mem>>
      %dma_start3A = arith.constant 0 : i32
      %dma_start3A_24 = tpu.memref_slice %arg10[%mul3A_2, %dma_start3A] : memref<10240x128xf32, #tpu.memory_space<vmem_shared>> -> memref<128x128xf32, #tpu.memory_space<vmem_shared>>
      %dma_start3A_25 = arith.constant 0 : i32
      %dma_start3A_26 = tpu.memref_slice %arg10[%mul3A_2, %dma_start3A_25] : memref<10240x128xf32, #tpu.memory_space<vmem_shared>> -> memref<128x128xf32, #tpu.memory_space<vmem_shared>>
      tpu.enqueue_dma source(%arg9 : memref<128x128xf32, #tpu.memory_space<vmem>>) target(%dma_start3A_26 : memref<128x128xf32, #tpu.memory_space<vmem_shared>>) target_semaphore(%run_scoped3A : memref<!tpu.dma_semaphore, #tpu.memory_space<semaphore_mem>>)
      %dma_wait3A = arith.constant 0 : i32
      %dma_wait3A_27 = tpu.memref_slice %arg10[%mul3A_2, %dma_wait3A] : memref<10240x128xf32, #tpu.memory_space<vmem_shared>> -> memref<128x128xf32, #tpu.memory_space<vmem_shared>>
      %dma_wait3A_28 = arith.constant 0 : i32
      %dma_wait3A_29 = tpu.memref_slice %arg10[%mul3A_2, %dma_wait3A_28] : memref<10240x128xf32, #tpu.memory_space<vmem_shared>> -> memref<128x128xf32, #tpu.memory_space<vmem_shared>>
      tpu.wait_dma2 semaphore(%run_scoped3A : memref<!tpu.dma_semaphore, #tpu.memory_space<semaphore_mem>>) src(%arg9 : memref<128x128xf32, #tpu.memory_space<vmem>>) dst(%dma_wait3A_29 : memref<128x128xf32, #tpu.memory_space<vmem_shared>>)
      tpu.yield
    }) : () -> ()
    %add3A_3 = arith.constant 128 : i32
    %add3A_4 = arith.addi %mul3A_2, %add3A_3 : i32
    "tpu.region"() ({
      %run_scoped3A = tpu.sem_alloc : memref<!tpu.dma_semaphore, #tpu.memory_space<semaphore_mem>>
      %dma_start3A = arith.constant 0 : i32
      %dma_start3A_24 = tpu.memref_slice %arg10[%add3A_4, %dma_start3A] : memref<10240x128xf32, #tpu.memory_space<vmem_shared>> -> memref<128x128xf32, #tpu.memory_space<vmem_shared>>
      %dma_start3A_25 = arith.constant 0 : i32
      %dma_start3A_26 = tpu.memref_slice %arg10[%add3A_4, %dma_start3A_25] : memref<10240x128xf32, #tpu.memory_space<vmem_shared>> -> memref<128x128xf32, #tpu.memory_space<vmem_shared>>
      tpu.enqueue_dma source(%arg9 : memref<128x128xf32, #tpu.memory_space<vmem>>) target(%dma_start3A_26 : memref<128x128xf32, #tpu.memory_space<vmem_shared>>) target_semaphore(%run_scoped3A : memref<!tpu.dma_semaphore, #tpu.memory_space<semaphore_mem>>)
      %dma_wait3A = arith.constant 0 : i32
      %dma_wait3A_27 = tpu.memref_slice %arg10[%add3A_4, %dma_wait3A] : memref<10240x128xf32, #tpu.memory_space<vmem_shared>> -> memref<128x128xf32, #tpu.memory_space<vmem_shared>>
      %dma_wait3A_28 = arith.constant 0 : i32
      %dma_wait3A_29 = tpu.memref_slice %arg10[%add3A_4, %dma_wait3A_28] : memref<10240x128xf32, #tpu.memory_space<vmem_shared>> -> memref<128x128xf32, #tpu.memory_space<vmem_shared>>
      tpu.wait_dma2 semaphore(%run_scoped3A : memref<!tpu.dma_semaphore, #tpu.memory_space<semaphore_mem>>) src(%arg9 : memref<128x128xf32, #tpu.memory_space<vmem>>) dst(%dma_wait3A_29 : memref<128x128xf32, #tpu.memory_space<vmem_shared>>)
      tpu.yield
    }) : () -> ()
    %add3A_5 = arith.constant 256 : i32
    %add3A_6 = arith.addi %mul3A_2, %add3A_5 : i32
    "tpu.region"() ({
      %run_scoped3A = tpu.sem_alloc : memref<!tpu.dma_semaphore, #tpu.memory_space<semaphore_mem>>
      %dma_start3A = arith.constant 0 : i32
      %dma_start3A_24 = arith.constant 0 : i32
      %dma_start3A_25 = tpu.memref_slice %arg9[%dma_start3A, %dma_start3A_24] : memref<128x128xf32, #tpu.memory_space<vmem>> -> memref<64x128xf32, #tpu.memory_space<vmem>>
      %dma_start3A_26 = arith.constant 0 : i32
      %dma_start3A_27 = tpu.memref_slice %arg10[%add3A_6, %dma_start3A_26] : memref<10240x128xf32, #tpu.memory_space<vmem_shared>> -> memref<64x128xf32, #tpu.memory_space<vmem_shared>>
      %dma_start3A_28 = arith.constant 0 : i32
      %dma_start3A_29 = tpu.memref_slice %arg10[%add3A_6, %dma_start3A_28] : memref<10240x128xf32, #tpu.memory_space<vmem_shared>> -> memref<64x128xf32, #tpu.memory_space<vmem_shared>>
      %dma_start3A_30 = arith.constant 0 : i32
      %dma_start3A_31 = arith.constant 0 : i32
      %dma_start3A_32 = tpu.memref_slice %arg9[%dma_start3A_30, %dma_start3A_31] : memref<128x128xf32, #tpu.memory_space<vmem>> -> memref<64x128xf32, #tpu.memory_space<vmem>>
      tpu.enqueue_dma source(%dma_start3A_32 : memref<64x128xf32, #tpu.memory_space<vmem>>) target(%dma_start3A_29 : memref<64x128xf32, #tpu.memory_space<vmem_shared>>) target_semaphore(%run_scoped3A : memref<!tpu.dma_semaphore, #tpu.memory_space<semaphore_mem>>)
      %dma_wait3A = arith.constant 0 : i32
      %dma_wait3A_33 = arith.constant 0 : i32
      %dma_wait3A_34 = tpu.memref_slice %arg9[%dma_wait3A, %dma_wait3A_33] : memref<128x128xf32, #tpu.memory_space<vmem>> -> memref<64x128xf32, #tpu.memory_space<vmem>>
      %dma_wait3A_35 = arith.constant 0 : i32
      %dma_wait3A_36 = tpu.memref_slice %arg10[%add3A_6, %dma_wait3A_35] : memref<10240x128xf32, #tpu.memory_space<vmem_shared>> -> memref<64x128xf32, #tpu.memory_space<vmem_shared>>
      %dma_wait3A_37 = arith.constant 0 : i32
      %dma_wait3A_38 = tpu.memref_slice %arg10[%add3A_6, %dma_wait3A_37] : memref<10240x128xf32, #tpu.memory_space<vmem_shared>> -> memref<64x128xf32, #tpu.memory_space<vmem_shared>>
      %dma_wait3A_39 = arith.constant 0 : i32
      %dma_wait3A_40 = arith.constant 0 : i32
      %dma_wait3A_41 = tpu.memref_slice %arg9[%dma_wait3A_39, %dma_wait3A_40] : memref<128x128xf32, #tpu.memory_space<vmem>> -> memref<64x128xf32, #tpu.memory_space<vmem>>
      tpu.wait_dma2 semaphore(%run_scoped3A : memref<!tpu.dma_semaphore, #tpu.memory_space<semaphore_mem>>) src(%dma_wait3A_41 : memref<64x128xf32, #tpu.memory_space<vmem>>) dst(%dma_wait3A_38 : memref<64x128xf32, #tpu.memory_space<vmem_shared>>)
      tpu.yield
    }) : () -> ()
    %barrier3A = arith.constant 0 : index
    tpu.barrier barrier_id(%barrier3A)
    %scan3A = arith.constant 0 : i32
    %scan3A_7 = arith.constant 80 : i32
    %scan3A_8 = arith.addi %scan3A, %scan3A_7 : i32
    %scan3A_9 = arith.constant 1 : i32
    scf.for %scan3A_24 = %scan3A to %scan3A_8 step %scan3A_9  : i32 {
      %mul3A_25 = arith.constant 1 : i32
      %mul3A_26 = arith.muli %scan3A_24, %mul3A_25 : i32
      %add3A_27 = arith.constant 0 : i32
      %add3A_28 = arith.addi %add3A_27, %mul3A_26 : i32
      %dma_start3A = arith.constant 0 : i32
      %dma_start3A_29 = tpu.memref_slice %arg7[%add3A_28, %dma_start3A] : memref<80x128xi32, #tpu.memory_space<vmem>> -> memref<1x128xi32, #tpu.memory_space<vmem>>
      %dma_start3A_30 = tpu.memref_squeeze %dma_start3A_29 : memref<1x128xi32, #tpu.memory_space<vmem>> -> memref<128xi32, #tpu.memory_space<vmem>>
      %dma_start3A_31 = arith.constant 0 : i32
      %dma_start3A_32 = arith.constant 0 : i32
      %dma_start3A_33 = tpu.memref_slice %arg2[%dma_start3A_31, %dma_start3A_32] : memref<10000x128xf32, #tpu.memory_space<hbm>> -> memref<10000x128xf32, #tpu.memory_space<hbm>>
      tpu.enqueue_indirect_dma source(%dma_start3A_33 : memref<10000x128xf32, #tpu.memory_space<hbm>>) target(%arg9 : memref<128x128xf32, #tpu.memory_space<vmem>>) offsets(%dma_start3A_30 : memref<128xi32, #tpu.memory_space<vmem>>) semaphore(%arg11 : memref<!tpu.dma_semaphore, #tpu.memory_space<semaphore_mem>>)
      %dma_wait3A = arith.constant 0 : i32
      %dma_wait3A_34 = tpu.memref_slice %arg7[%add3A_28, %dma_wait3A] : memref<80x128xi32, #tpu.memory_space<vmem>> -> memref<1x128xi32, #tpu.memory_space<vmem>>
      %dma_wait3A_35 = tpu.memref_squeeze %dma_wait3A_34 : memref<1x128xi32, #tpu.memory_space<vmem>> -> memref<128xi32, #tpu.memory_space<vmem>>
      %dma_wait3A_36 = arith.constant 0 : i32
      %dma_wait3A_37 = arith.constant 0 : i32
      %dma_wait3A_38 = tpu.memref_slice %arg2[%dma_wait3A_36, %dma_wait3A_37] : memref<10000x128xf32, #tpu.memory_space<hbm>> -> memref<10000x128xf32, #tpu.memory_space<hbm>>
      tpu.wait_indirect_dma semaphore(%arg11 : memref<!tpu.dma_semaphore, #tpu.memory_space<semaphore_mem>>) src(%dma_wait3A_38 : memref<10000x128xf32, #tpu.memory_space<hbm>>) dst(%arg9 : memref<128x128xf32, #tpu.memory_space<vmem>>)
      "tpu.region"() ({
        %run_scoped3A = tpu.sem_alloc : memref<!tpu.dma_semaphore, #tpu.memory_space<semaphore_mem>>
        %dma_start3A_39 = arith.constant 0 : i32
        %dma_start3A_40 = tpu.memref_slice %arg8[%add3A_28, %dma_start3A_39] : memref<80x128xi32, #tpu.memory_space<vmem>> -> memref<1x128xi32, #tpu.memory_space<vmem>>
        %dma_start3A_41 = tpu.memref_squeeze %dma_start3A_40 : memref<1x128xi32, #tpu.memory_space<vmem>> -> memref<128xi32, #tpu.memory_space<vmem>>
        %dma_start3A_42 = arith.constant 0 : i32
        %dma_start3A_43 = arith.constant 0 : i32
        %dma_start3A_44 = tpu.memref_slice %arg10[%dma_start3A_42, %dma_start3A_43] : memref<10240x128xf32, #tpu.memory_space<vmem_shared>> -> memref<10240x128xf32, #tpu.memory_space<vmem_shared>>
        tpu.enqueue_indirect_dma source(%arg9 : memref<128x128xf32, #tpu.memory_space<vmem>>) target(%dma_start3A_44 : memref<10240x128xf32, #tpu.memory_space<vmem_shared>>) offsets(%dma_start3A_41 : memref<128xi32, #tpu.memory_space<vmem>>) semaphore(%run_scoped3A : memref<!tpu.dma_semaphore, #tpu.memory_space<semaphore_mem>>) {add = true}
        %dma_wait3A_45 = arith.constant 0 : i32
        %dma_wait3A_46 = tpu.memref_slice %arg8[%add3A_28, %dma_wait3A_45] : memref<80x128xi32, #tpu.memory_space<vmem>> -> memref<1x128xi32, #tpu.memory_space<vmem>>
        %dma_wait3A_47 = tpu.memref_squeeze %dma_wait3A_46 : memref<1x128xi32, #tpu.memory_space<vmem>> -> memref<128xi32, #tpu.memory_space<vmem>>
        %dma_wait3A_48 = arith.constant 0 : i32
        %dma_wait3A_49 = arith.constant 0 : i32
        %dma_wait3A_50 = tpu.memref_slice %arg10[%dma_wait3A_48, %dma_wait3A_49] : memref<10240x128xf32, #tpu.memory_space<vmem_shared>> -> memref<10240x128xf32, #tpu.memory_space<vmem_shared>>
        tpu.wait_indirect_dma semaphore(%run_scoped3A : memref<!tpu.dma_semaphore, #tpu.memory_space<semaphore_mem>>) src(%arg9 : memref<128x128xf32, #tpu.memory_space<vmem>>) dst(%dma_wait3A_50 : memref<10240x128xf32, #tpu.memory_space<vmem_shared>>)
        tpu.yield
      }) : () -> ()
    }
    %scan3A_10 = arith.constant 80 : i32
    %barrier3A_11 = arith.constant 0 : index
    tpu.barrier barrier_id(%barrier3A_11)
    %add3A_12 = arith.constant 0 : i32
    %add3A_13 = arith.addi %mul3A_2, %add3A_12 : i32
    "tpu.region"() ({
      %run_scoped3A = tpu.sem_alloc : memref<!tpu.dma_semaphore, #tpu.memory_space<semaphore_mem>>
      %dma_start3A = arith.constant 0 : i32
      %dma_start3A_24 = arith.constant 0 : i32
      %dma_start3A_25 = tpu.memref_slice %arg9[%dma_start3A, %dma_start3A_24] : memref<128x128xf32, #tpu.memory_space<vmem>> -> memref<128x128xf32, #tpu.memory_space<vmem>>
      %dma_start3A_26 = arith.constant 0 : i32
      %dma_start3A_27 = tpu.memref_slice %arg10[%add3A_13, %dma_start3A_26] : memref<10240x128xf32, #tpu.memory_space<vmem_shared>> -> memref<128x128xf32, #tpu.memory_space<vmem_shared>>
      %dma_start3A_28 = arith.constant 0 : i32
      %dma_start3A_29 = arith.constant 0 : i32
      %dma_start3A_30 = tpu.memref_slice %arg9[%dma_start3A_28, %dma_start3A_29] : memref<128x128xf32, #tpu.memory_space<vmem>> -> memref<128x128xf32, #tpu.memory_space<vmem>>
      %dma_start3A_31 = arith.constant 0 : i32
      %dma_start3A_32 = tpu.memref_slice %arg10[%add3A_13, %dma_start3A_31] : memref<10240x128xf32, #tpu.memory_space<vmem_shared>> -> memref<128x128xf32, #tpu.memory_space<vmem_shared>>
      tpu.enqueue_dma source(%dma_start3A_32 : memref<128x128xf32, #tpu.memory_space<vmem_shared>>) target(%dma_start3A_30 : memref<128x128xf32, #tpu.memory_space<vmem>>) target_semaphore(%run_scoped3A : memref<!tpu.dma_semaphore, #tpu.memory_space<semaphore_mem>>)
      %dma_wait3A = arith.constant 0 : i32
      %dma_wait3A_33 = arith.constant 0 : i32
      %dma_wait3A_34 = tpu.memref_slice %arg9[%dma_wait3A, %dma_wait3A_33] : memref<128x128xf32, #tpu.memory_space<vmem>> -> memref<128x128xf32, #tpu.memory_space<vmem>>
      %dma_wait3A_35 = arith.constant 0 : i32
      %dma_wait3A_36 = tpu.memref_slice %arg10[%add3A_13, %dma_wait3A_35] : memref<10240x128xf32, #tpu.memory_space<vmem_shared>> -> memref<128x128xf32, #tpu.memory_space<vmem_shared>>
      %dma_wait3A_37 = arith.constant 0 : i32
      %dma_wait3A_38 = arith.constant 0 : i32
      %dma_wait3A_39 = tpu.memref_slice %arg9[%dma_wait3A_37, %dma_wait3A_38] : memref<128x128xf32, #tpu.memory_space<vmem>> -> memref<128x128xf32, #tpu.memory_space<vmem>>
      %dma_wait3A_40 = arith.constant 0 : i32
      %dma_wait3A_41 = tpu.memref_slice %arg10[%add3A_13, %dma_wait3A_40] : memref<10240x128xf32, #tpu.memory_space<vmem_shared>> -> memref<128x128xf32, #tpu.memory_space<vmem_shared>>
      tpu.wait_dma2 semaphore(%run_scoped3A : memref<!tpu.dma_semaphore, #tpu.memory_space<semaphore_mem>>) src(%dma_wait3A_41 : memref<128x128xf32, #tpu.memory_space<vmem_shared>>) dst(%dma_wait3A_39 : memref<128x128xf32, #tpu.memory_space<vmem>>)
      tpu.yield
    }) : () -> ()
    %add3A_14 = arith.constant 0 : i32
    %add3A_15 = arith.addi %mul3A_2, %add3A_14 : i32
    "tpu.region"() ({
      %run_scoped3A = tpu.sem_alloc : memref<!tpu.dma_semaphore, #tpu.memory_space<semaphore_mem>>
      %dma_start3A = arith.constant 0 : i32
      %dma_start3A_24 = arith.constant 0 : i32
      %dma_start3A_25 = tpu.memref_slice %arg9[%dma_start3A, %dma_start3A_24] : memref<128x128xf32, #tpu.memory_space<vmem>> -> memref<128x128xf32, #tpu.memory_space<vmem>>
      %dma_start3A_26 = arith.constant 0 : i32
      %dma_start3A_27 = tpu.memref_slice %arg6[%arg0, %add3A_15, %dma_start3A_26] : memref<2x10240x128xf32, #tpu.memory_space<hbm>> -> memref<1x128x128xf32, #tpu.memory_space<hbm>>
      %dma_start3A_28 = tpu.memref_squeeze %dma_start3A_27 : memref<1x128x128xf32, #tpu.memory_space<hbm>> -> memref<128x128xf32, #tpu.memory_space<hbm>>
      %dma_start3A_29 = arith.constant 0 : i32
      %dma_start3A_30 = tpu.memref_slice %arg6[%arg0, %add3A_15, %dma_start3A_29] : memref<2x10240x128xf32, #tpu.memory_space<hbm>> -> memref<1x128x128xf32, #tpu.memory_space<hbm>>
      %dma_start3A_31 = tpu.memref_squeeze %dma_start3A_30 : memref<1x128x128xf32, #tpu.memory_space<hbm>> -> memref<128x128xf32, #tpu.memory_space<hbm>>
      %dma_start3A_32 = arith.constant 0 : i32
      %dma_start3A_33 = arith.constant 0 : i32
      %dma_start3A_34 = tpu.memref_slice %arg9[%dma_start3A_32, %dma_start3A_33] : memref<128x128xf32, #tpu.memory_space<vmem>> -> memref<128x128xf32, #tpu.memory_space<vmem>>
      tpu.enqueue_dma source(%dma_start3A_34 : memref<128x128xf32, #tpu.memory_space<vmem>>) target(%dma_start3A_31 : memref<128x128xf32, #tpu.memory_space<hbm>>) target_semaphore(%run_scoped3A : memref<!tpu.dma_semaphore, #tpu.memory_space<semaphore_mem>>)
      %dma_wait3A = arith.constant 0 : i32
      %dma_wait3A_35 = arith.constant 0 : i32
      %dma_wait3A_36 = tpu.memref_slice %arg9[%dma_wait3A, %dma_wait3A_35] : memref<128x128xf32, #tpu.memory_space<vmem>> -> memref<128x128xf32, #tpu.memory_space<vmem>>
      %dma_wait3A_37 = arith.constant 0 : i32
      %dma_wait3A_38 = tpu.memref_slice %arg6[%arg0, %add3A_15, %dma_wait3A_37] : memref<2x10240x128xf32, #tpu.memory_space<hbm>> -> memref<1x128x128xf32, #tpu.memory_space<hbm>>
      %dma_wait3A_39 = tpu.memref_squeeze %dma_wait3A_38 : memref<1x128x128xf32, #tpu.memory_space<hbm>> -> memref<128x128xf32, #tpu.memory_space<hbm>>
      %dma_wait3A_40 = arith.constant 0 : i32
      %dma_wait3A_41 = tpu.memref_slice %arg6[%arg0, %add3A_15, %dma_wait3A_40] : memref<2x10240x128xf32, #tpu.memory_space<hbm>> -> memref<1x128x128xf32, #tpu.memory_space<hbm>>
      %dma_wait3A_42 = tpu.memref_squeeze %dma_wait3A_41 : memref<1x128x128xf32, #tpu.memory_space<hbm>> -> memref<128x128xf32, #tpu.memory_space<hbm>>
      %dma_wait3A_43 = arith.constant 0 : i32
      %dma_wait3A_44 = arith.constant 0 : i32
      %dma_wait3A_45 = tpu.memref_slice %arg9[%dma_wait3A_43, %dma_wait3A_44] : memref<128x128xf32, #tpu.memory_space<vmem>> -> memref<128x128xf32, #tpu.memory_space<vmem>>
      tpu.wait_dma2 semaphore(%run_scoped3A : memref<!tpu.dma_semaphore, #tpu.memory_space<semaphore_mem>>) src(%dma_wait3A_45 : memref<128x128xf32, #tpu.memory_space<vmem>>) dst(%dma_wait3A_42 : memref<128x128xf32, #tpu.memory_space<hbm>>)
      tpu.yield
    }) : () -> ()
    %add3A_16 = arith.constant 128 : i32
    %add3A_17 = arith.addi %mul3A_2, %add3A_16 : i32
    "tpu.region"() ({
      %run_scoped3A = tpu.sem_alloc : memref<!tpu.dma_semaphore, #tpu.memory_space<semaphore_mem>>
      %dma_start3A = arith.constant 0 : i32
      %dma_start3A_24 = arith.constant 0 : i32
      %dma_start3A_25 = tpu.memref_slice %arg9[%dma_start3A, %dma_start3A_24] : memref<128x128xf32, #tpu.memory_space<vmem>> -> memref<128x128xf32, #tpu.memory_space<vmem>>
      %dma_start3A_26 = arith.constant 0 : i32
      %dma_start3A_27 = tpu.memref_slice %arg10[%add3A_17, %dma_start3A_26] : memref<10240x128xf32, #tpu.memory_space<vmem_shared>> -> memref<128x128xf32, #tpu.memory_space<vmem_shared>>
      %dma_start3A_28 = arith.constant 0 : i32
      %dma_start3A_29 = arith.constant 0 : i32
      %dma_start3A_30 = tpu.memref_slice %arg9[%dma_start3A_28, %dma_start3A_29] : memref<128x128xf32, #tpu.memory_space<vmem>> -> memref<128x128xf32, #tpu.memory_space<vmem>>
      %dma_start3A_31 = arith.constant 0 : i32
      %dma_start3A_32 = tpu.memref_slice %arg10[%add3A_17, %dma_start3A_31] : memref<10240x128xf32, #tpu.memory_space<vmem_shared>> -> memref<128x128xf32, #tpu.memory_space<vmem_shared>>
      tpu.enqueue_dma source(%dma_start3A_32 : memref<128x128xf32, #tpu.memory_space<vmem_shared>>) target(%dma_start3A_30 : memref<128x128xf32, #tpu.memory_space<vmem>>) target_semaphore(%run_scoped3A : memref<!tpu.dma_semaphore, #tpu.memory_space<semaphore_mem>>)
      %dma_wait3A = arith.constant 0 : i32
      %dma_wait3A_33 = arith.constant 0 : i32
      %dma_wait3A_34 = tpu.memref_slice %arg9[%dma_wait3A, %dma_wait3A_33] : memref<128x128xf32, #tpu.memory_space<vmem>> -> memref<128x128xf32, #tpu.memory_space<vmem>>
      %dma_wait3A_35 = arith.constant 0 : i32
      %dma_wait3A_36 = tpu.memref_slice %arg10[%add3A_17, %dma_wait3A_35] : memref<10240x128xf32, #tpu.memory_space<vmem_shared>> -> memref<128x128xf32, #tpu.memory_space<vmem_shared>>
      %dma_wait3A_37 = arith.constant 0 : i32
      %dma_wait3A_38 = arith.constant 0 : i32
      %dma_wait3A_39 = tpu.memref_slice %arg9[%dma_wait3A_37, %dma_wait3A_38] : memref<128x128xf32, #tpu.memory_space<vmem>> -> memref<128x128xf32, #tpu.memory_space<vmem>>
      %dma_wait3A_40 = arith.constant 0 : i32
      %dma_wait3A_41 = tpu.memref_slice %arg10[%add3A_17, %dma_wait3A_40] : memref<10240x128xf32, #tpu.memory_space<vmem_shared>> -> memref<128x128xf32, #tpu.memory_space<vmem_shared>>
      tpu.wait_dma2 semaphore(%run_scoped3A : memref<!tpu.dma_semaphore, #tpu.memory_space<semaphore_mem>>) src(%dma_wait3A_41 : memref<128x128xf32, #tpu.memory_space<vmem_shared>>) dst(%dma_wait3A_39 : memref<128x128xf32, #tpu.memory_space<vmem>>)
      tpu.yield
    }) : () -> ()
    %add3A_18 = arith.constant 128 : i32
    %add3A_19 = arith.addi %mul3A_2, %add3A_18 : i32
    "tpu.region"() ({
      %run_scoped3A = tpu.sem_alloc : memref<!tpu.dma_semaphore, #tpu.memory_space<semaphore_mem>>
      %dma_start3A = arith.constant 0 : i32
      %dma_start3A_24 = arith.constant 0 : i32
      %dma_start3A_25 = tpu.memref_slice %arg9[%dma_start3A, %dma_start3A_24] : memref<128x128xf32, #tpu.memory_space<vmem>> -> memref<128x128xf32, #tpu.memory_space<vmem>>
      %dma_start3A_26 = arith.constant 0 : i32
      %dma_start3A_27 = tpu.memref_slice %arg6[%arg0, %add3A_19, %dma_start3A_26] : memref<2x10240x128xf32, #tpu.memory_space<hbm>> -> memref<1x128x128xf32, #tpu.memory_space<hbm>>
      %dma_start3A_28 = tpu.memref_squeeze %dma_start3A_27 : memref<1x128x128xf32, #tpu.memory_space<hbm>> -> memref<128x128xf32, #tpu.memory_space<hbm>>
      %dma_start3A_29 = arith.constant 0 : i32
      %dma_start3A_30 = tpu.memref_slice %arg6[%arg0, %add3A_19, %dma_start3A_29] : memref<2x10240x128xf32, #tpu.memory_space<hbm>> -> memref<1x128x128xf32, #tpu.memory_space<hbm>>
      %dma_start3A_31 = tpu.memref_squeeze %dma_start3A_30 : memref<1x128x128xf32, #tpu.memory_space<hbm>> -> memref<128x128xf32, #tpu.memory_space<hbm>>
      %dma_start3A_32 = arith.constant 0 : i32
      %dma_start3A_33 = arith.constant 0 : i32
      %dma_start3A_34 = tpu.memref_slice %arg9[%dma_start3A_32, %dma_start3A_33] : memref<128x128xf32, #tpu.memory_space<vmem>> -> memref<128x128xf32, #tpu.memory_space<vmem>>
      tpu.enqueue_dma source(%dma_start3A_34 : memref<128x128xf32, #tpu.memory_space<vmem>>) target(%dma_start3A_31 : memref<128x128xf32, #tpu.memory_space<hbm>>) target_semaphore(%run_scoped3A : memref<!tpu.dma_semaphore, #tpu.memory_space<semaphore_mem>>)
      %dma_wait3A = arith.constant 0 : i32
      %dma_wait3A_35 = arith.constant 0 : i32
      %dma_wait3A_36 = tpu.memref_slice %arg9[%dma_wait3A, %dma_wait3A_35] : memref<128x128xf32, #tpu.memory_space<vmem>> -> memref<128x128xf32, #tpu.memory_space<vmem>>
      %dma_wait3A_37 = arith.constant 0 : i32
      %dma_wait3A_38 = tpu.memref_slice %arg6[%arg0, %add3A_19, %dma_wait3A_37] : memref<2x10240x128xf32, #tpu.memory_space<hbm>> -> memref<1x128x128xf32, #tpu.memory_space<hbm>>
      %dma_wait3A_39 = tpu.memref_squeeze %dma_wait3A_38 : memref<1x128x128xf32, #tpu.memory_space<hbm>> -> memref<128x128xf32, #tpu.memory_space<hbm>>
      %dma_wait3A_40 = arith.constant 0 : i32
      %dma_wait3A_41 = tpu.memref_slice %arg6[%arg0, %add3A_19, %dma_wait3A_40] : memref<2x10240x128xf32, #tpu.memory_space<hbm>> -> memref<1x128x128xf32, #tpu.memory_space<hbm>>
      %dma_wait3A_42 = tpu.memref_squeeze %dma_wait3A_41 : memref<1x128x128xf32, #tpu.memory_space<hbm>> -> memref<128x128xf32, #tpu.memory_space<hbm>>
      %dma_wait3A_43 = arith.constant 0 : i32
      %dma_wait3A_44 = arith.constant 0 : i32
      %dma_wait3A_45 = tpu.memref_slice %arg9[%dma_wait3A_43, %dma_wait3A_44] : memref<128x128xf32, #tpu.memory_space<vmem>> -> memref<128x128xf32, #tpu.memory_space<vmem>>
      tpu.wait_dma2 semaphore(%run_scoped3A : memref<!tpu.dma_semaphore, #tpu.memory_space<semaphore_mem>>) src(%dma_wait3A_45 : memref<128x128xf32, #tpu.memory_space<vmem>>) dst(%dma_wait3A_42 : memref<128x128xf32, #tpu.memory_space<hbm>>)
      tpu.yield
    }) : () -> ()
    %add3A_20 = arith.constant 256 : i32
    %add3A_21 = arith.addi %mul3A_2, %add3A_20 : i32
    "tpu.region"() ({
      %run_scoped3A = tpu.sem_alloc : memref<!tpu.dma_semaphore, #tpu.memory_space<semaphore_mem>>
      %dma_start3A = arith.constant 0 : i32
      %dma_start3A_24 = arith.constant 0 : i32
      %dma_start3A_25 = tpu.memref_slice %arg9[%dma_start3A, %dma_start3A_24] : memref<128x128xf32, #tpu.memory_space<vmem>> -> memref<64x128xf32, #tpu.memory_space<vmem>>
      %dma_start3A_26 = arith.constant 0 : i32
      %dma_start3A_27 = tpu.memref_slice %arg10[%add3A_21, %dma_start3A_26] : memref<10240x128xf32, #tpu.memory_space<vmem_shared>> -> memref<64x128xf32, #tpu.memory_space<vmem_shared>>
      %dma_start3A_28 = arith.constant 0 : i32
      %dma_start3A_29 = arith.constant 0 : i32
      %dma_start3A_30 = tpu.memref_slice %arg9[%dma_start3A_28, %dma_start3A_29] : memref<128x128xf32, #tpu.memory_space<vmem>> -> memref<64x128xf32, #tpu.memory_space<vmem>>
      %dma_start3A_31 = arith.constant 0 : i32
      %dma_start3A_32 = tpu.memref_slice %arg10[%add3A_21, %dma_start3A_31] : memref<10240x128xf32, #tpu.memory_space<vmem_shared>> -> memref<64x128xf32, #tpu.memory_space<vmem_shared>>
      tpu.enqueue_dma source(%dma_start3A_32 : memref<64x128xf32, #tpu.memory_space<vmem_shared>>) target(%dma_start3A_30 : memref<64x128xf32, #tpu.memory_space<vmem>>) target_semaphore(%run_scoped3A : memref<!tpu.dma_semaphore, #tpu.memory_space<semaphore_mem>>)
      %dma_wait3A = arith.constant 0 : i32
      %dma_wait3A_33 = arith.constant 0 : i32
      %dma_wait3A_34 = tpu.memref_slice %arg9[%dma_wait3A, %dma_wait3A_33] : memref<128x128xf32, #tpu.memory_space<vmem>> -> memref<64x128xf32, #tpu.memory_space<vmem>>
      %dma_wait3A_35 = arith.constant 0 : i32
      %dma_wait3A_36 = tpu.memref_slice %arg10[%add3A_21, %dma_wait3A_35] : memref<10240x128xf32, #tpu.memory_space<vmem_shared>> -> memref<64x128xf32, #tpu.memory_space<vmem_shared>>
      %dma_wait3A_37 = arith.constant 0 : i32
      %dma_wait3A_38 = arith.constant 0 : i32
      %dma_wait3A_39 = tpu.memref_slice %arg9[%dma_wait3A_37, %dma_wait3A_38] : memref<128x128xf32, #tpu.memory_space<vmem>> -> memref<64x128xf32, #tpu.memory_space<vmem>>
      %dma_wait3A_40 = arith.constant 0 : i32
      %dma_wait3A_41 = tpu.memref_slice %arg10[%add3A_21, %dma_wait3A_40] : memref<10240x128xf32, #tpu.memory_space<vmem_shared>> -> memref<64x128xf32, #tpu.memory_space<vmem_shared>>
      tpu.wait_dma2 semaphore(%run_scoped3A : memref<!tpu.dma_semaphore, #tpu.memory_space<semaphore_mem>>) src(%dma_wait3A_41 : memref<64x128xf32, #tpu.memory_space<vmem_shared>>) dst(%dma_wait3A_39 : memref<64x128xf32, #tpu.memory_space<vmem>>)
      tpu.yield
    }) : () -> ()
    %add3A_22 = arith.constant 256 : i32
    %add3A_23 = arith.addi %mul3A_2, %add3A_22 : i32
    "tpu.region"() ({
      %run_scoped3A = tpu.sem_alloc : memref<!tpu.dma_semaphore, #tpu.memory_space<semaphore_mem>>
      %dma_start3A = arith.constant 0 : i32
      %dma_start3A_24 = arith.constant 0 : i32
      %dma_start3A_25 = tpu.memref_slice %arg9[%dma_start3A, %dma_start3A_24] : memref<128x128xf32, #tpu.memory_space<vmem>> -> memref<64x128xf32, #tpu.memory_space<vmem>>
      %dma_start3A_26 = arith.constant 0 : i32
      %dma_start3A_27 = tpu.memref_slice %arg6[%arg0, %add3A_23, %dma_start3A_26] : memref<2x10240x128xf32, #tpu.memory_space<hbm>> -> memref<1x64x128xf32, #tpu.memory_space<hbm>>
      %dma_start3A_28 = tpu.memref_squeeze %dma_start3A_27 : memref<1x64x128xf32, #tpu.memory_space<hbm>> -> memref<64x128xf32, #tpu.memory_space<hbm>>
      %dma_start3A_29 = arith.constant 0 : i32
      %dma_start3A_30 = tpu.memref_slice %arg6[%arg0, %add3A_23, %dma_start3A_29] : memref<2x10240x128xf32, #tpu.memory_space<hbm>> -> memref<1x64x128xf32, #tpu.memory_space<hbm>>
      %dma_start3A_31 = tpu.memref_squeeze %dma_start3A_30 : memref<1x64x128xf32, #tpu.memory_space<hbm>> -> memref<64x128xf32, #tpu.memory_space<hbm>>
      %dma_start3A_32 = arith.constant 0 : i32
      %dma_start3A_33 = arith.constant 0 : i32
      %dma_start3A_34 = tpu.memref_slice %arg9[%dma_start3A_32, %dma_start3A_33] : memref<128x128xf32, #tpu.memory_space<vmem>> -> memref<64x128xf32, #tpu.memory_space<vmem>>
      tpu.enqueue_dma source(%dma_start3A_34 : memref<64x128xf32, #tpu.memory_space<vmem>>) target(%dma_start3A_31 : memref<64x128xf32, #tpu.memory_space<hbm>>) target_semaphore(%run_scoped3A : memref<!tpu.dma_semaphore, #tpu.memory_space<semaphore_mem>>)
      %dma_wait3A = arith.constant 0 : i32
      %dma_wait3A_35 = arith.constant 0 : i32
      %dma_wait3A_36 = tpu.memref_slice %arg9[%dma_wait3A, %dma_wait3A_35] : memref<128x128xf32, #tpu.memory_space<vmem>> -> memref<64x128xf32, #tpu.memory_space<vmem>>
      %dma_wait3A_37 = arith.constant 0 : i32
      %dma_wait3A_38 = tpu.memref_slice %arg6[%arg0, %add3A_23, %dma_wait3A_37] : memref<2x10240x128xf32, #tpu.memory_space<hbm>> -> memref<1x64x128xf32, #tpu.memory_space<hbm>>
      %dma_wait3A_39 = tpu.memref_squeeze %dma_wait3A_38 : memref<1x64x128xf32, #tpu.memory_space<hbm>> -> memref<64x128xf32, #tpu.memory_space<hbm>>
      %dma_wait3A_40 = arith.constant 0 : i32
      %dma_wait3A_41 = tpu.memref_slice %arg6[%arg0, %add3A_23, %dma_wait3A_40] : memref<2x10240x128xf32, #tpu.memory_space<hbm>> -> memref<1x64x128xf32, #tpu.memory_space<hbm>>
      %dma_wait3A_42 = tpu.memref_squeeze %dma_wait3A_41 : memref<1x64x128xf32, #tpu.memory_space<hbm>> -> memref<64x128xf32, #tpu.memory_space<hbm>>
      %dma_wait3A_43 = arith.constant 0 : i32
      %dma_wait3A_44 = arith.constant 0 : i32
      %dma_wait3A_45 = tpu.memref_slice %arg9[%dma_wait3A_43, %dma_wait3A_44] : memref<128x128xf32, #tpu.memory_space<vmem>> -> memref<64x128xf32, #tpu.memory_space<vmem>>
      tpu.wait_dma2 semaphore(%run_scoped3A : memref<!tpu.dma_semaphore, #tpu.memory_space<semaphore_mem>>) src(%dma_wait3A_45 : memref<64x128xf32, #tpu.memory_space<vmem>>) dst(%dma_wait3A_42 : memref<64x128xf32, #tpu.memory_space<hbm>>)
      tpu.yield
    }) : () -> ()
    return
  }
}

#map = affine_map<(d0, d1) -> (0, 0)>
#map1 = affine_map<(d0, d1) -> (0, 0, 0)>
module attributes {stable_mosaic.version = 14 : i64} {
  func.func @_sc_scatter_body(%arg0: i32, %arg1: i32, %arg2: memref<10000x128xf32, #tpu.memory_space<hbm>>, %arg3: memref<32x80x128xi32, #tpu.memory_space<hbm>>, %arg4: memref<32x80x128xi32, #tpu.memory_space<hbm>>, %arg5: memref<128x128xf32, #tpu.memory_space<hbm>>, %arg6: memref<2x10240x128xf32, #tpu.memory_space<hbm>>, %arg7: memref<80x128xi32, #tpu.memory_space<vmem>>, %arg8: memref<80x128xi32, #tpu.memory_space<vmem>>, %arg9: memref<128x128xf32, #tpu.memory_space<vmem>>, %arg10: memref<10240x128xf32, #tpu.memory_space<vmem_shared>>, %arg11: memref<!tpu.dma_semaphore, #tpu.memory_space<semaphore_mem>>) attributes {dimension_semantics = [#tpu.dimension_semantics<core_parallel>, #tpu.dimension_semantics<subcore_parallel>], iteration_bounds = array<i64: 2, 16>, scalar_prefetch = 0 : i64, scratch_operands = 5 : i64, tpu.core_type = #tpu.core_type<sc_vector_subcore>, window_params = [{transform_indices = #map}, {transform_indices = #map1}, {transform_indices = #map1}, {transform_indices = #map}, {transform_indices = #map1}]} {
    %mul3A = arith.constant 16 : i32
    %mul3A_0 = arith.muli %arg0, %mul3A : i32
    %add3A = arith.addi %mul3A_0, %arg1 : i32
    %mul3A_1 = arith.constant 320 : i32
    %mul3A_2 = arith.muli %arg1, %mul3A_1 : i32
    "tpu.region"() ({
      %run_scoped3A = tpu.sem_alloc : memref<!tpu.dma_semaphore, #tpu.memory_space<semaphore_mem>>
      %dma_start3A = arith.constant 0 : i32
      %dma_start3A_24 = arith.constant 0 : i32
      %dma_start3A_25 = tpu.memref_slice %arg3[%add3A, %dma_start3A, %dma_start3A_24] : memref<32x80x128xi32, #tpu.memory_space<hbm>> -> memref<1x80x128xi32, #tpu.memory_space<hbm>>
      %dma_start3A_26 = tpu.memref_squeeze %dma_start3A_25 : memref<1x80x128xi32, #tpu.memory_space<hbm>> -> memref<80x128xi32, #tpu.memory_space<hbm>>
      %dma_start3A_27 = arith.constant 0 : i32
      %dma_start3A_28 = arith.constant 0 : i32
      %dma_start3A_29 = tpu.memref_slice %arg3[%add3A, %dma_start3A_27, %dma_start3A_28] : memref<32x80x128xi32, #tpu.memory_space<hbm>> -> memref<1x80x128xi32, #tpu.memory_space<hbm>>
      %dma_start3A_30 = tpu.memref_squeeze %dma_start3A_29 : memref<1x80x128xi32, #tpu.memory_space<hbm>> -> memref<80x128xi32, #tpu.memory_space<hbm>>
      tpu.enqueue_dma source(%dma_start3A_30 : memref<80x128xi32, #tpu.memory_space<hbm>>) target(%arg7 : memref<80x128xi32, #tpu.memory_space<vmem>>) target_semaphore(%run_scoped3A : memref<!tpu.dma_semaphore, #tpu.memory_space<semaphore_mem>>)
      %dma_wait3A = arith.constant 0 : i32
      %dma_wait3A_31 = arith.constant 0 : i32
      %dma_wait3A_32 = tpu.memref_slice %arg3[%add3A, %dma_wait3A, %dma_wait3A_31] : memref<32x80x128xi32, #tpu.memory_space<hbm>> -> memref<1x80x128xi32, #tpu.memory_space<hbm>>
      %dma_wait3A_33 = tpu.memref_squeeze %dma_wait3A_32 : memref<1x80x128xi32, #tpu.memory_space<hbm>> -> memref<80x128xi32, #tpu.memory_space<hbm>>
      %dma_wait3A_34 = arith.constant 0 : i32
      %dma_wait3A_35 = arith.constant 0 : i32
      %dma_wait3A_36 = tpu.memref_slice %arg3[%add3A, %dma_wait3A_34, %dma_wait3A_35] : memref<32x80x128xi32, #tpu.memory_space<hbm>> -> memref<1x80x128xi32, #tpu.memory_space<hbm>>
      %dma_wait3A_37 = tpu.memref_squeeze %dma_wait3A_36 : memref<1x80x128xi32, #tpu.memory_space<hbm>> -> memref<80x128xi32, #tpu.memory_space<hbm>>
      tpu.wait_dma2 semaphore(%run_scoped3A : memref<!tpu.dma_semaphore, #tpu.memory_space<semaphore_mem>>) src(%dma_wait3A_37 : memref<80x128xi32, #tpu.memory_space<hbm>>) dst(%arg7 : memref<80x128xi32, #tpu.memory_space<vmem>>)
      tpu.yield
    }) : () -> ()
    "tpu.region"() ({
      %run_scoped3A = tpu.sem_alloc : memref<!tpu.dma_semaphore, #tpu.memory_space<semaphore_mem>>
      %dma_start3A = arith.constant 0 : i32
      %dma_start3A_24 = arith.constant 0 : i32
      %dma_start3A_25 = tpu.memref_slice %arg4[%add3A, %dma_start3A, %dma_start3A_24] : memref<32x80x128xi32, #tpu.memory_space<hbm>> -> memref<1x80x128xi32, #tpu.memory_space<hbm>>
      %dma_start3A_26 = tpu.memref_squeeze %dma_start3A_25 : memref<1x80x128xi32, #tpu.memory_space<hbm>> -> memref<80x128xi32, #tpu.memory_space<hbm>>
      %dma_start3A_27 = arith.constant 0 : i32
      %dma_start3A_28 = arith.constant 0 : i32
      %dma_start3A_29 = tpu.memref_slice %arg4[%add3A, %dma_start3A_27, %dma_start3A_28] : memref<32x80x128xi32, #tpu.memory_space<hbm>> -> memref<1x80x128xi32, #tpu.memory_space<hbm>>
      %dma_start3A_30 = tpu.memref_squeeze %dma_start3A_29 : memref<1x80x128xi32, #tpu.memory_space<hbm>> -> memref<80x128xi32, #tpu.memory_space<hbm>>
      tpu.enqueue_dma source(%dma_start3A_30 : memref<80x128xi32, #tpu.memory_space<hbm>>) target(%arg8 : memref<80x128xi32, #tpu.memory_space<vmem>>) target_semaphore(%run_scoped3A : memref<!tpu.dma_semaphore, #tpu.memory_space<semaphore_mem>>)
      %dma_wait3A = arith.constant 0 : i32
      %dma_wait3A_31 = arith.constant 0 : i32
      %dma_wait3A_32 = tpu.memref_slice %arg4[%add3A, %dma_wait3A, %dma_wait3A_31] : memref<32x80x128xi32, #tpu.memory_space<hbm>> -> memref<1x80x128xi32, #tpu.memory_space<hbm>>
      %dma_wait3A_33 = tpu.memref_squeeze %dma_wait3A_32 : memref<1x80x128xi32, #tpu.memory_space<hbm>> -> memref<80x128xi32, #tpu.memory_space<hbm>>
      %dma_wait3A_34 = arith.constant 0 : i32
      %dma_wait3A_35 = arith.constant 0 : i32
      %dma_wait3A_36 = tpu.memref_slice %arg4[%add3A, %dma_wait3A_34, %dma_wait3A_35] : memref<32x80x128xi32, #tpu.memory_space<hbm>> -> memref<1x80x128xi32, #tpu.memory_space<hbm>>
      %dma_wait3A_37 = tpu.memref_squeeze %dma_wait3A_36 : memref<1x80x128xi32, #tpu.memory_space<hbm>> -> memref<80x128xi32, #tpu.memory_space<hbm>>
      tpu.wait_dma2 semaphore(%run_scoped3A : memref<!tpu.dma_semaphore, #tpu.memory_space<semaphore_mem>>) src(%dma_wait3A_37 : memref<80x128xi32, #tpu.memory_space<hbm>>) dst(%arg8 : memref<80x128xi32, #tpu.memory_space<vmem>>)
      tpu.yield
    }) : () -> ()
    "tpu.region"() ({
      %run_scoped3A = tpu.sem_alloc : memref<!tpu.dma_semaphore, #tpu.memory_space<semaphore_mem>>
      tpu.enqueue_dma source(%arg5 : memref<128x128xf32, #tpu.memory_space<hbm>>) target(%arg9 : memref<128x128xf32, #tpu.memory_space<vmem>>) target_semaphore(%run_scoped3A : memref<!tpu.dma_semaphore, #tpu.memory_space<semaphore_mem>>)
      tpu.wait_dma2 semaphore(%run_scoped3A : memref<!tpu.dma_semaphore, #tpu.memory_space<semaphore_mem>>) src(%arg5 : memref<128x128xf32, #tpu.memory_space<hbm>>) dst(%arg9 : memref<128x128xf32, #tpu.memory_space<vmem>>)
      tpu.yield
    }) : () -> ()
    "tpu.region"() ({
      %run_scoped3A = tpu.sem_alloc : memref<!tpu.dma_semaphore, #tpu.memory_space<semaphore_mem>>
      %dma_start3A = arith.constant 0 : i32
      %dma_start3A_24 = tpu.memref_slice %arg10[%mul3A_2, %dma_start3A] : memref<10240x128xf32, #tpu.memory_space<vmem_shared>> -> memref<128x128xf32, #tpu.memory_space<vmem_shared>>
      %dma_start3A_25 = arith.constant 0 : i32
      %dma_start3A_26 = tpu.memref_slice %arg10[%mul3A_2, %dma_start3A_25] : memref<10240x128xf32, #tpu.memory_space<vmem_shared>> -> memref<128x128xf32, #tpu.memory_space<vmem_shared>>
      tpu.enqueue_dma source(%arg9 : memref<128x128xf32, #tpu.memory_space<vmem>>) target(%dma_start3A_26 : memref<128x128xf32, #tpu.memory_space<vmem_shared>>) target_semaphore(%run_scoped3A : memref<!tpu.dma_semaphore, #tpu.memory_space<semaphore_mem>>)
      %dma_wait3A = arith.constant 0 : i32
      %dma_wait3A_27 = tpu.memref_slice %arg10[%mul3A_2, %dma_wait3A] : memref<10240x128xf32, #tpu.memory_space<vmem_shared>> -> memref<128x128xf32, #tpu.memory_space<vmem_shared>>
      %dma_wait3A_28 = arith.constant 0 : i32
      %dma_wait3A_29 = tpu.memref_slice %arg10[%mul3A_2, %dma_wait3A_28] : memref<10240x128xf32, #tpu.memory_space<vmem_shared>> -> memref<128x128xf32, #tpu.memory_space<vmem_shared>>
      tpu.wait_dma2 semaphore(%run_scoped3A : memref<!tpu.dma_semaphore, #tpu.memory_space<semaphore_mem>>) src(%arg9 : memref<128x128xf32, #tpu.memory_space<vmem>>) dst(%dma_wait3A_29 : memref<128x128xf32, #tpu.memory_space<vmem_shared>>)
      tpu.yield
    }) : () -> ()
    %add3A_3 = arith.constant 128 : i32
    %add3A_4 = arith.addi %mul3A_2, %add3A_3 : i32
    "tpu.region"() ({
      %run_scoped3A = tpu.sem_alloc : memref<!tpu.dma_semaphore, #tpu.memory_space<semaphore_mem>>
      %dma_start3A = arith.constant 0 : i32
      %dma_start3A_24 = tpu.memref_slice %arg10[%add3A_4, %dma_start3A] : memref<10240x128xf32, #tpu.memory_space<vmem_shared>> -> memref<128x128xf32, #tpu.memory_space<vmem_shared>>
      %dma_start3A_25 = arith.constant 0 : i32
      %dma_start3A_26 = tpu.memref_slice %arg10[%add3A_4, %dma_start3A_25] : memref<10240x128xf32, #tpu.memory_space<vmem_shared>> -> memref<128x128xf32, #tpu.memory_space<vmem_shared>>
      tpu.enqueue_dma source(%arg9 : memref<128x128xf32, #tpu.memory_space<vmem>>) target(%dma_start3A_26 : memref<128x128xf32, #tpu.memory_space<vmem_shared>>) target_semaphore(%run_scoped3A : memref<!tpu.dma_semaphore, #tpu.memory_space<semaphore_mem>>)
      %dma_wait3A = arith.constant 0 : i32
      %dma_wait3A_27 = tpu.memref_slice %arg10[%add3A_4, %dma_wait3A] : memref<10240x128xf32, #tpu.memory_space<vmem_shared>> -> memref<128x128xf32, #tpu.memory_space<vmem_shared>>
      %dma_wait3A_28 = arith.constant 0 : i32
      %dma_wait3A_29 = tpu.memref_slice %arg10[%add3A_4, %dma_wait3A_28] : memref<10240x128xf32, #tpu.memory_space<vmem_shared>> -> memref<128x128xf32, #tpu.memory_space<vmem_shared>>
      tpu.wait_dma2 semaphore(%run_scoped3A : memref<!tpu.dma_semaphore, #tpu.memory_space<semaphore_mem>>) src(%arg9 : memref<128x128xf32, #tpu.memory_space<vmem>>) dst(%dma_wait3A_29 : memref<128x128xf32, #tpu.memory_space<vmem_shared>>)
      tpu.yield
    }) : () -> ()
    %add3A_5 = arith.constant 256 : i32
    %add3A_6 = arith.addi %mul3A_2, %add3A_5 : i32
    "tpu.region"() ({
      %run_scoped3A = tpu.sem_alloc : memref<!tpu.dma_semaphore, #tpu.memory_space<semaphore_mem>>
      %dma_start3A = arith.constant 0 : i32
      %dma_start3A_24 = arith.constant 0 : i32
      %dma_start3A_25 = tpu.memref_slice %arg9[%dma_start3A, %dma_start3A_24] : memref<128x128xf32, #tpu.memory_space<vmem>> -> memref<64x128xf32, #tpu.memory_space<vmem>>
      %dma_start3A_26 = arith.constant 0 : i32
      %dma_start3A_27 = tpu.memref_slice %arg10[%add3A_6, %dma_start3A_26] : memref<10240x128xf32, #tpu.memory_space<vmem_shared>> -> memref<64x128xf32, #tpu.memory_space<vmem_shared>>
      %dma_start3A_28 = arith.constant 0 : i32
      %dma_start3A_29 = tpu.memref_slice %arg10[%add3A_6, %dma_start3A_28] : memref<10240x128xf32, #tpu.memory_space<vmem_shared>> -> memref<64x128xf32, #tpu.memory_space<vmem_shared>>
      %dma_start3A_30 = arith.constant 0 : i32
      %dma_start3A_31 = arith.constant 0 : i32
      %dma_start3A_32 = tpu.memref_slice %arg9[%dma_start3A_30, %dma_start3A_31] : memref<128x128xf32, #tpu.memory_space<vmem>> -> memref<64x128xf32, #tpu.memory_space<vmem>>
      tpu.enqueue_dma source(%dma_start3A_32 : memref<64x128xf32, #tpu.memory_space<vmem>>) target(%dma_start3A_29 : memref<64x128xf32, #tpu.memory_space<vmem_shared>>) target_semaphore(%run_scoped3A : memref<!tpu.dma_semaphore, #tpu.memory_space<semaphore_mem>>)
      %dma_wait3A = arith.constant 0 : i32
      %dma_wait3A_33 = arith.constant 0 : i32
      %dma_wait3A_34 = tpu.memref_slice %arg9[%dma_wait3A, %dma_wait3A_33] : memref<128x128xf32, #tpu.memory_space<vmem>> -> memref<64x128xf32, #tpu.memory_space<vmem>>
      %dma_wait3A_35 = arith.constant 0 : i32
      %dma_wait3A_36 = tpu.memref_slice %arg10[%add3A_6, %dma_wait3A_35] : memref<10240x128xf32, #tpu.memory_space<vmem_shared>> -> memref<64x128xf32, #tpu.memory_space<vmem_shared>>
      %dma_wait3A_37 = arith.constant 0 : i32
      %dma_wait3A_38 = tpu.memref_slice %arg10[%add3A_6, %dma_wait3A_37] : memref<10240x128xf32, #tpu.memory_space<vmem_shared>> -> memref<64x128xf32, #tpu.memory_space<vmem_shared>>
      %dma_wait3A_39 = arith.constant 0 : i32
      %dma_wait3A_40 = arith.constant 0 : i32
      %dma_wait3A_41 = tpu.memref_slice %arg9[%dma_wait3A_39, %dma_wait3A_40] : memref<128x128xf32, #tpu.memory_space<vmem>> -> memref<64x128xf32, #tpu.memory_space<vmem>>
      tpu.wait_dma2 semaphore(%run_scoped3A : memref<!tpu.dma_semaphore, #tpu.memory_space<semaphore_mem>>) src(%dma_wait3A_41 : memref<64x128xf32, #tpu.memory_space<vmem>>) dst(%dma_wait3A_38 : memref<64x128xf32, #tpu.memory_space<vmem_shared>>)
      tpu.yield
    }) : () -> ()
    %barrier3A = arith.constant 0 : index
    tpu.barrier barrier_id(%barrier3A)
    %scan3A = arith.constant 0 : i32
    %scan3A_7 = arith.constant 80 : i32
    %scan3A_8 = arith.addi %scan3A, %scan3A_7 : i32
    %scan3A_9 = arith.constant 1 : i32
    scf.for %scan3A_24 = %scan3A to %scan3A_8 step %scan3A_9  : i32 {
      %mul3A_25 = arith.constant 1 : i32
      %mul3A_26 = arith.muli %scan3A_24, %mul3A_25 : i32
      %add3A_27 = arith.constant 0 : i32
      %add3A_28 = arith.addi %add3A_27, %mul3A_26 : i32
      %dma_start3A = arith.constant 0 : i32
      %dma_start3A_29 = tpu.memref_slice %arg7[%add3A_28, %dma_start3A] : memref<80x128xi32, #tpu.memory_space<vmem>> -> memref<1x128xi32, #tpu.memory_space<vmem>>
      %dma_start3A_30 = tpu.memref_squeeze %dma_start3A_29 : memref<1x128xi32, #tpu.memory_space<vmem>> -> memref<128xi32, #tpu.memory_space<vmem>>
      %dma_start3A_31 = arith.constant 0 : i32
      %dma_start3A_32 = arith.constant 0 : i32
      %dma_start3A_33 = tpu.memref_slice %arg2[%dma_start3A_31, %dma_start3A_32] : memref<10000x128xf32, #tpu.memory_space<hbm>> -> memref<10000x128xf32, #tpu.memory_space<hbm>>
      tpu.enqueue_indirect_dma source(%dma_start3A_33 : memref<10000x128xf32, #tpu.memory_space<hbm>>) target(%arg9 : memref<128x128xf32, #tpu.memory_space<vmem>>) offsets(%dma_start3A_30 : memref<128xi32, #tpu.memory_space<vmem>>) semaphore(%arg11 : memref<!tpu.dma_semaphore, #tpu.memory_space<semaphore_mem>>)
      %dma_wait3A = arith.constant 0 : i32
      %dma_wait3A_34 = tpu.memref_slice %arg7[%add3A_28, %dma_wait3A] : memref<80x128xi32, #tpu.memory_space<vmem>> -> memref<1x128xi32, #tpu.memory_space<vmem>>
      %dma_wait3A_35 = tpu.memref_squeeze %dma_wait3A_34 : memref<1x128xi32, #tpu.memory_space<vmem>> -> memref<128xi32, #tpu.memory_space<vmem>>
      %dma_wait3A_36 = arith.constant 0 : i32
      %dma_wait3A_37 = arith.constant 0 : i32
      %dma_wait3A_38 = tpu.memref_slice %arg2[%dma_wait3A_36, %dma_wait3A_37] : memref<10000x128xf32, #tpu.memory_space<hbm>> -> memref<10000x128xf32, #tpu.memory_space<hbm>>
      tpu.wait_indirect_dma semaphore(%arg11 : memref<!tpu.dma_semaphore, #tpu.memory_space<semaphore_mem>>) src(%dma_wait3A_38 : memref<10000x128xf32, #tpu.memory_space<hbm>>) dst(%arg9 : memref<128x128xf32, #tpu.memory_space<vmem>>)
      "tpu.region"() ({
        %run_scoped3A = tpu.sem_alloc : memref<!tpu.dma_semaphore, #tpu.memory_space<semaphore_mem>>
        %dma_start3A_39 = arith.constant 0 : i32
        %dma_start3A_40 = tpu.memref_slice %arg8[%add3A_28, %dma_start3A_39] : memref<80x128xi32, #tpu.memory_space<vmem>> -> memref<1x128xi32, #tpu.memory_space<vmem>>
        %dma_start3A_41 = tpu.memref_squeeze %dma_start3A_40 : memref<1x128xi32, #tpu.memory_space<vmem>> -> memref<128xi32, #tpu.memory_space<vmem>>
        %dma_start3A_42 = arith.constant 0 : i32
        %dma_start3A_43 = arith.constant 0 : i32
        %dma_start3A_44 = tpu.memref_slice %arg10[%dma_start3A_42, %dma_start3A_43] : memref<10240x128xf32, #tpu.memory_space<vmem_shared>> -> memref<10240x128xf32, #tpu.memory_space<vmem_shared>>
        tpu.enqueue_indirect_dma source(%arg9 : memref<128x128xf32, #tpu.memory_space<vmem>>) target(%dma_start3A_44 : memref<10240x128xf32, #tpu.memory_space<vmem_shared>>) offsets(%dma_start3A_41 : memref<128xi32, #tpu.memory_space<vmem>>) semaphore(%run_scoped3A : memref<!tpu.dma_semaphore, #tpu.memory_space<semaphore_mem>>) {add = true}
        %dma_wait3A_45 = arith.constant 0 : i32
        %dma_wait3A_46 = tpu.memref_slice %arg8[%add3A_28, %dma_wait3A_45] : memref<80x128xi32, #tpu.memory_space<vmem>> -> memref<1x128xi32, #tpu.memory_space<vmem>>
        %dma_wait3A_47 = tpu.memref_squeeze %dma_wait3A_46 : memref<1x128xi32, #tpu.memory_space<vmem>> -> memref<128xi32, #tpu.memory_space<vmem>>
        %dma_wait3A_48 = arith.constant 0 : i32
        %dma_wait3A_49 = arith.constant 0 : i32
        %dma_wait3A_50 = tpu.memref_slice %arg10[%dma_wait3A_48, %dma_wait3A_49] : memref<10240x128xf32, #tpu.memory_space<vmem_shared>> -> memref<10240x128xf32, #tpu.memory_space<vmem_shared>>
        tpu.wait_indirect_dma semaphore(%run_scoped3A : memref<!tpu.dma_semaphore, #tpu.memory_space<semaphore_mem>>) src(%arg9 : memref<128x128xf32, #tpu.memory_space<vmem>>) dst(%dma_wait3A_50 : memref<10240x128xf32, #tpu.memory_space<vmem_shared>>)
        tpu.yield
      }) : () -> ()
    }
    %scan3A_10 = arith.constant 80 : i32
    %barrier3A_11 = arith.constant 0 : index
    tpu.barrier barrier_id(%barrier3A_11)
    %add3A_12 = arith.constant 0 : i32
    %add3A_13 = arith.addi %mul3A_2, %add3A_12 : i32
    "tpu.region"() ({
      %run_scoped3A = tpu.sem_alloc : memref<!tpu.dma_semaphore, #tpu.memory_space<semaphore_mem>>
      %dma_start3A = arith.constant 0 : i32
      %dma_start3A_24 = arith.constant 0 : i32
      %dma_start3A_25 = tpu.memref_slice %arg9[%dma_start3A, %dma_start3A_24] : memref<128x128xf32, #tpu.memory_space<vmem>> -> memref<128x128xf32, #tpu.memory_space<vmem>>
      %dma_start3A_26 = arith.constant 0 : i32
      %dma_start3A_27 = tpu.memref_slice %arg10[%add3A_13, %dma_start3A_26] : memref<10240x128xf32, #tpu.memory_space<vmem_shared>> -> memref<128x128xf32, #tpu.memory_space<vmem_shared>>
      %dma_start3A_28 = arith.constant 0 : i32
      %dma_start3A_29 = arith.constant 0 : i32
      %dma_start3A_30 = tpu.memref_slice %arg9[%dma_start3A_28, %dma_start3A_29] : memref<128x128xf32, #tpu.memory_space<vmem>> -> memref<128x128xf32, #tpu.memory_space<vmem>>
      %dma_start3A_31 = arith.constant 0 : i32
      %dma_start3A_32 = tpu.memref_slice %arg10[%add3A_13, %dma_start3A_31] : memref<10240x128xf32, #tpu.memory_space<vmem_shared>> -> memref<128x128xf32, #tpu.memory_space<vmem_shared>>
      tpu.enqueue_dma source(%dma_start3A_32 : memref<128x128xf32, #tpu.memory_space<vmem_shared>>) target(%dma_start3A_30 : memref<128x128xf32, #tpu.memory_space<vmem>>) target_semaphore(%run_scoped3A : memref<!tpu.dma_semaphore, #tpu.memory_space<semaphore_mem>>)
      %dma_wait3A = arith.constant 0 : i32
      %dma_wait3A_33 = arith.constant 0 : i32
      %dma_wait3A_34 = tpu.memref_slice %arg9[%dma_wait3A, %dma_wait3A_33] : memref<128x128xf32, #tpu.memory_space<vmem>> -> memref<128x128xf32, #tpu.memory_space<vmem>>
      %dma_wait3A_35 = arith.constant 0 : i32
      %dma_wait3A_36 = tpu.memref_slice %arg10[%add3A_13, %dma_wait3A_35] : memref<10240x128xf32, #tpu.memory_space<vmem_shared>> -> memref<128x128xf32, #tpu.memory_space<vmem_shared>>
      %dma_wait3A_37 = arith.constant 0 : i32
      %dma_wait3A_38 = arith.constant 0 : i32
      %dma_wait3A_39 = tpu.memref_slice %arg9[%dma_wait3A_37, %dma_wait3A_38] : memref<128x128xf32, #tpu.memory_space<vmem>> -> memref<128x128xf32, #tpu.memory_space<vmem>>
      %dma_wait3A_40 = arith.constant 0 : i32
      %dma_wait3A_41 = tpu.memref_slice %arg10[%add3A_13, %dma_wait3A_40] : memref<10240x128xf32, #tpu.memory_space<vmem_shared>> -> memref<128x128xf32, #tpu.memory_space<vmem_shared>>
      tpu.wait_dma2 semaphore(%run_scoped3A : memref<!tpu.dma_semaphore, #tpu.memory_space<semaphore_mem>>) src(%dma_wait3A_41 : memref<128x128xf32, #tpu.memory_space<vmem_shared>>) dst(%dma_wait3A_39 : memref<128x128xf32, #tpu.memory_space<vmem>>)
      tpu.yield
    }) : () -> ()
    %add3A_14 = arith.constant 0 : i32
    %add3A_15 = arith.addi %mul3A_2, %add3A_14 : i32
    "tpu.region"() ({
      %run_scoped3A = tpu.sem_alloc : memref<!tpu.dma_semaphore, #tpu.memory_space<semaphore_mem>>
      %dma_start3A = arith.constant 0 : i32
      %dma_start3A_24 = arith.constant 0 : i32
      %dma_start3A_25 = tpu.memref_slice %arg9[%dma_start3A, %dma_start3A_24] : memref<128x128xf32, #tpu.memory_space<vmem>> -> memref<128x128xf32, #tpu.memory_space<vmem>>
      %dma_start3A_26 = arith.constant 0 : i32
      %dma_start3A_27 = tpu.memref_slice %arg6[%arg0, %add3A_15, %dma_start3A_26] : memref<2x10240x128xf32, #tpu.memory_space<hbm>> -> memref<1x128x128xf32, #tpu.memory_space<hbm>>
      %dma_start3A_28 = tpu.memref_squeeze %dma_start3A_27 : memref<1x128x128xf32, #tpu.memory_space<hbm>> -> memref<128x128xf32, #tpu.memory_space<hbm>>
      %dma_start3A_29 = arith.constant 0 : i32
      %dma_start3A_30 = tpu.memref_slice %arg6[%arg0, %add3A_15, %dma_start3A_29] : memref<2x10240x128xf32, #tpu.memory_space<hbm>> -> memref<1x128x128xf32, #tpu.memory_space<hbm>>
      %dma_start3A_31 = tpu.memref_squeeze %dma_start3A_30 : memref<1x128x128xf32, #tpu.memory_space<hbm>> -> memref<128x128xf32, #tpu.memory_space<hbm>>
      %dma_start3A_32 = arith.constant 0 : i32
      %dma_start3A_33 = arith.constant 0 : i32
      %dma_start3A_34 = tpu.memref_slice %arg9[%dma_start3A_32, %dma_start3A_33] : memref<128x128xf32, #tpu.memory_space<vmem>> -> memref<128x128xf32, #tpu.memory_space<vmem>>
      tpu.enqueue_dma source(%dma_start3A_34 : memref<128x128xf32, #tpu.memory_space<vmem>>) target(%dma_start3A_31 : memref<128x128xf32, #tpu.memory_space<hbm>>) target_semaphore(%run_scoped3A : memref<!tpu.dma_semaphore, #tpu.memory_space<semaphore_mem>>)
      %dma_wait3A = arith.constant 0 : i32
      %dma_wait3A_35 = arith.constant 0 : i32
      %dma_wait3A_36 = tpu.memref_slice %arg9[%dma_wait3A, %dma_wait3A_35] : memref<128x128xf32, #tpu.memory_space<vmem>> -> memref<128x128xf32, #tpu.memory_space<vmem>>
      %dma_wait3A_37 = arith.constant 0 : i32
      %dma_wait3A_38 = tpu.memref_slice %arg6[%arg0, %add3A_15, %dma_wait3A_37] : memref<2x10240x128xf32, #tpu.memory_space<hbm>> -> memref<1x128x128xf32, #tpu.memory_space<hbm>>
      %dma_wait3A_39 = tpu.memref_squeeze %dma_wait3A_38 : memref<1x128x128xf32, #tpu.memory_space<hbm>> -> memref<128x128xf32, #tpu.memory_space<hbm>>
      %dma_wait3A_40 = arith.constant 0 : i32
      %dma_wait3A_41 = tpu.memref_slice %arg6[%arg0, %add3A_15, %dma_wait3A_40] : memref<2x10240x128xf32, #tpu.memory_space<hbm>> -> memref<1x128x128xf32, #tpu.memory_space<hbm>>
      %dma_wait3A_42 = tpu.memref_squeeze %dma_wait3A_41 : memref<1x128x128xf32, #tpu.memory_space<hbm>> -> memref<128x128xf32, #tpu.memory_space<hbm>>
      %dma_wait3A_43 = arith.constant 0 : i32
      %dma_wait3A_44 = arith.constant 0 : i32
      %dma_wait3A_45 = tpu.memref_slice %arg9[%dma_wait3A_43, %dma_wait3A_44] : memref<128x128xf32, #tpu.memory_space<vmem>> -> memref<128x128xf32, #tpu.memory_space<vmem>>
      tpu.wait_dma2 semaphore(%run_scoped3A : memref<!tpu.dma_semaphore, #tpu.memory_space<semaphore_mem>>) src(%dma_wait3A_45 : memref<128x128xf32, #tpu.memory_space<vmem>>) dst(%dma_wait3A_42 : memref<128x128xf32, #tpu.memory_space<hbm>>)
      tpu.yield
    }) : () -> ()
    %add3A_16 = arith.constant 128 : i32
    %add3A_17 = arith.addi %mul3A_2, %add3A_16 : i32
    "tpu.region"() ({
      %run_scoped3A = tpu.sem_alloc : memref<!tpu.dma_semaphore, #tpu.memory_space<semaphore_mem>>
      %dma_start3A = arith.constant 0 : i32
      %dma_start3A_24 = arith.constant 0 : i32
      %dma_start3A_25 = tpu.memref_slice %arg9[%dma_start3A, %dma_start3A_24] : memref<128x128xf32, #tpu.memory_space<vmem>> -> memref<128x128xf32, #tpu.memory_space<vmem>>
      %dma_start3A_26 = arith.constant 0 : i32
      %dma_start3A_27 = tpu.memref_slice %arg10[%add3A_17, %dma_start3A_26] : memref<10240x128xf32, #tpu.memory_space<vmem_shared>> -> memref<128x128xf32, #tpu.memory_space<vmem_shared>>
      %dma_start3A_28 = arith.constant 0 : i32
      %dma_start3A_29 = arith.constant 0 : i32
      %dma_start3A_30 = tpu.memref_slice %arg9[%dma_start3A_28, %dma_start3A_29] : memref<128x128xf32, #tpu.memory_space<vmem>> -> memref<128x128xf32, #tpu.memory_space<vmem>>
      %dma_start3A_31 = arith.constant 0 : i32
      %dma_start3A_32 = tpu.memref_slice %arg10[%add3A_17, %dma_start3A_31] : memref<10240x128xf32, #tpu.memory_space<vmem_shared>> -> memref<128x128xf32, #tpu.memory_space<vmem_shared>>
      tpu.enqueue_dma source(%dma_start3A_32 : memref<128x128xf32, #tpu.memory_space<vmem_shared>>) target(%dma_start3A_30 : memref<128x128xf32, #tpu.memory_space<vmem>>) target_semaphore(%run_scoped3A : memref<!tpu.dma_semaphore, #tpu.memory_space<semaphore_mem>>)
      %dma_wait3A = arith.constant 0 : i32
      %dma_wait3A_33 = arith.constant 0 : i32
      %dma_wait3A_34 = tpu.memref_slice %arg9[%dma_wait3A, %dma_wait3A_33] : memref<128x128xf32, #tpu.memory_space<vmem>> -> memref<128x128xf32, #tpu.memory_space<vmem>>
      %dma_wait3A_35 = arith.constant 0 : i32
      %dma_wait3A_36 = tpu.memref_slice %arg10[%add3A_17, %dma_wait3A_35] : memref<10240x128xf32, #tpu.memory_space<vmem_shared>> -> memref<128x128xf32, #tpu.memory_space<vmem_shared>>
      %dma_wait3A_37 = arith.constant 0 : i32
      %dma_wait3A_38 = arith.constant 0 : i32
      %dma_wait3A_39 = tpu.memref_slice %arg9[%dma_wait3A_37, %dma_wait3A_38] : memref<128x128xf32, #tpu.memory_space<vmem>> -> memref<128x128xf32, #tpu.memory_space<vmem>>
      %dma_wait3A_40 = arith.constant 0 : i32
      %dma_wait3A_41 = tpu.memref_slice %arg10[%add3A_17, %dma_wait3A_40] : memref<10240x128xf32, #tpu.memory_space<vmem_shared>> -> memref<128x128xf32, #tpu.memory_space<vmem_shared>>
      tpu.wait_dma2 semaphore(%run_scoped3A : memref<!tpu.dma_semaphore, #tpu.memory_space<semaphore_mem>>) src(%dma_wait3A_41 : memref<128x128xf32, #tpu.memory_space<vmem_shared>>) dst(%dma_wait3A_39 : memref<128x128xf32, #tpu.memory_space<vmem>>)
      tpu.yield
    }) : () -> ()
    %add3A_18 = arith.constant 128 : i32
    %add3A_19 = arith.addi %mul3A_2, %add3A_18 : i32
    "tpu.region"() ({
      %run_scoped3A = tpu.sem_alloc : memref<!tpu.dma_semaphore, #tpu.memory_space<semaphore_mem>>
      %dma_start3A = arith.constant 0 : i32
      %dma_start3A_24 = arith.constant 0 : i32
      %dma_start3A_25 = tpu.memref_slice %arg9[%dma_start3A, %dma_start3A_24] : memref<128x128xf32, #tpu.memory_space<vmem>> -> memref<128x128xf32, #tpu.memory_space<vmem>>
      %dma_start3A_26 = arith.constant 0 : i32
      %dma_start3A_27 = tpu.memref_slice %arg6[%arg0, %add3A_19, %dma_start3A_26] : memref<2x10240x128xf32, #tpu.memory_space<hbm>> -> memref<1x128x128xf32, #tpu.memory_space<hbm>>
      %dma_start3A_28 = tpu.memref_squeeze %dma_start3A_27 : memref<1x128x128xf32, #tpu.memory_space<hbm>> -> memref<128x128xf32, #tpu.memory_space<hbm>>
      %dma_start3A_29 = arith.constant 0 : i32
      %dma_start3A_30 = tpu.memref_slice %arg6[%arg0, %add3A_19, %dma_start3A_29] : memref<2x10240x128xf32, #tpu.memory_space<hbm>> -> memref<1x128x128xf32, #tpu.memory_space<hbm>>
      %dma_start3A_31 = tpu.memref_squeeze %dma_start3A_30 : memref<1x128x128xf32, #tpu.memory_space<hbm>> -> memref<128x128xf32, #tpu.memory_space<hbm>>
      %dma_start3A_32 = arith.constant 0 : i32
      %dma_start3A_33 = arith.constant 0 : i32
      %dma_start3A_34 = tpu.memref_slice %arg9[%dma_start3A_32, %dma_start3A_33] : memref<128x128xf32, #tpu.memory_space<vmem>> -> memref<128x128xf32, #tpu.memory_space<vmem>>
      tpu.enqueue_dma source(%dma_start3A_34 : memref<128x128xf32, #tpu.memory_space<vmem>>) target(%dma_start3A_31 : memref<128x128xf32, #tpu.memory_space<hbm>>) target_semaphore(%run_scoped3A : memref<!tpu.dma_semaphore, #tpu.memory_space<semaphore_mem>>)
      %dma_wait3A = arith.constant 0 : i32
      %dma_wait3A_35 = arith.constant 0 : i32
      %dma_wait3A_36 = tpu.memref_slice %arg9[%dma_wait3A, %dma_wait3A_35] : memref<128x128xf32, #tpu.memory_space<vmem>> -> memref<128x128xf32, #tpu.memory_space<vmem>>
      %dma_wait3A_37 = arith.constant 0 : i32
      %dma_wait3A_38 = tpu.memref_slice %arg6[%arg0, %add3A_19, %dma_wait3A_37] : memref<2x10240x128xf32, #tpu.memory_space<hbm>> -> memref<1x128x128xf32, #tpu.memory_space<hbm>>
      %dma_wait3A_39 = tpu.memref_squeeze %dma_wait3A_38 : memref<1x128x128xf32, #tpu.memory_space<hbm>> -> memref<128x128xf32, #tpu.memory_space<hbm>>
      %dma_wait3A_40 = arith.constant 0 : i32
      %dma_wait3A_41 = tpu.memref_slice %arg6[%arg0, %add3A_19, %dma_wait3A_40] : memref<2x10240x128xf32, #tpu.memory_space<hbm>> -> memref<1x128x128xf32, #tpu.memory_space<hbm>>
      %dma_wait3A_42 = tpu.memref_squeeze %dma_wait3A_41 : memref<1x128x128xf32, #tpu.memory_space<hbm>> -> memref<128x128xf32, #tpu.memory_space<hbm>>
      %dma_wait3A_43 = arith.constant 0 : i32
      %dma_wait3A_44 = arith.constant 0 : i32
      %dma_wait3A_45 = tpu.memref_slice %arg9[%dma_wait3A_43, %dma_wait3A_44] : memref<128x128xf32, #tpu.memory_space<vmem>> -> memref<128x128xf32, #tpu.memory_space<vmem>>
      tpu.wait_dma2 semaphore(%run_scoped3A : memref<!tpu.dma_semaphore, #tpu.memory_space<semaphore_mem>>) src(%dma_wait3A_45 : memref<128x128xf32, #tpu.memory_space<vmem>>) dst(%dma_wait3A_42 : memref<128x128xf32, #tpu.memory_space<hbm>>)
      tpu.yield
    }) : () -> ()
    %add3A_20 = arith.constant 256 : i32
    %add3A_21 = arith.addi %mul3A_2, %add3A_20 : i32
    "tpu.region"() ({
      %run_scoped3A = tpu.sem_alloc : memref<!tpu.dma_semaphore, #tpu.memory_space<semaphore_mem>>
      %dma_start3A = arith.constant 0 : i32
      %dma_start3A_24 = arith.constant 0 : i32
      %dma_start3A_25 = tpu.memref_slice %arg9[%dma_start3A, %dma_start3A_24] : memref<128x128xf32, #tpu.memory_space<vmem>> -> memref<64x128xf32, #tpu.memory_space<vmem>>
      %dma_start3A_26 = arith.constant 0 : i32
      %dma_start3A_27 = tpu.memref_slice %arg10[%add3A_21, %dma_start3A_26] : memref<10240x128xf32, #tpu.memory_space<vmem_shared>> -> memref<64x128xf32, #tpu.memory_space<vmem_shared>>
      %dma_start3A_28 = arith.constant 0 : i32
      %dma_start3A_29 = arith.constant 0 : i32
      %dma_start3A_30 = tpu.memref_slice %arg9[%dma_start3A_28, %dma_start3A_29] : memref<128x128xf32, #tpu.memory_space<vmem>> -> memref<64x128xf32, #tpu.memory_space<vmem>>
      %dma_start3A_31 = arith.constant 0 : i32
      %dma_start3A_32 = tpu.memref_slice %arg10[%add3A_21, %dma_start3A_31] : memref<10240x128xf32, #tpu.memory_space<vmem_shared>> -> memref<64x128xf32, #tpu.memory_space<vmem_shared>>
      tpu.enqueue_dma source(%dma_start3A_32 : memref<64x128xf32, #tpu.memory_space<vmem_shared>>) target(%dma_start3A_30 : memref<64x128xf32, #tpu.memory_space<vmem>>) target_semaphore(%run_scoped3A : memref<!tpu.dma_semaphore, #tpu.memory_space<semaphore_mem>>)
      %dma_wait3A = arith.constant 0 : i32
      %dma_wait3A_33 = arith.constant 0 : i32
      %dma_wait3A_34 = tpu.memref_slice %arg9[%dma_wait3A, %dma_wait3A_33] : memref<128x128xf32, #tpu.memory_space<vmem>> -> memref<64x128xf32, #tpu.memory_space<vmem>>
      %dma_wait3A_35 = arith.constant 0 : i32
      %dma_wait3A_36 = tpu.memref_slice %arg10[%add3A_21, %dma_wait3A_35] : memref<10240x128xf32, #tpu.memory_space<vmem_shared>> -> memref<64x128xf32, #tpu.memory_space<vmem_shared>>
      %dma_wait3A_37 = arith.constant 0 : i32
      %dma_wait3A_38 = arith.constant 0 : i32
      %dma_wait3A_39 = tpu.memref_slice %arg9[%dma_wait3A_37, %dma_wait3A_38] : memref<128x128xf32, #tpu.memory_space<vmem>> -> memref<64x128xf32, #tpu.memory_space<vmem>>
      %dma_wait3A_40 = arith.constant 0 : i32
      %dma_wait3A_41 = tpu.memref_slice %arg10[%add3A_21, %dma_wait3A_40] : memref<10240x128xf32, #tpu.memory_space<vmem_shared>> -> memref<64x128xf32, #tpu.memory_space<vmem_shared>>
      tpu.wait_dma2 semaphore(%run_scoped3A : memref<!tpu.dma_semaphore, #tpu.memory_space<semaphore_mem>>) src(%dma_wait3A_41 : memref<64x128xf32, #tpu.memory_space<vmem_shared>>) dst(%dma_wait3A_39 : memref<64x128xf32, #tpu.memory_space<vmem>>)
      tpu.yield
    }) : () -> ()
    %add3A_22 = arith.constant 256 : i32
    %add3A_23 = arith.addi %mul3A_2, %add3A_22 : i32
    "tpu.region"() ({
      %run_scoped3A = tpu.sem_alloc : memref<!tpu.dma_semaphore, #tpu.memory_space<semaphore_mem>>
      %dma_start3A = arith.constant 0 : i32
      %dma_start3A_24 = arith.constant 0 : i32
      %dma_start3A_25 = tpu.memref_slice %arg9[%dma_start3A, %dma_start3A_24] : memref<128x128xf32, #tpu.memory_space<vmem>> -> memref<64x128xf32, #tpu.memory_space<vmem>>
      %dma_start3A_26 = arith.constant 0 : i32
      %dma_start3A_27 = tpu.memref_slice %arg6[%arg0, %add3A_23, %dma_start3A_26] : memref<2x10240x128xf32, #tpu.memory_space<hbm>> -> memref<1x64x128xf32, #tpu.memory_space<hbm>>
      %dma_start3A_28 = tpu.memref_squeeze %dma_start3A_27 : memref<1x64x128xf32, #tpu.memory_space<hbm>> -> memref<64x128xf32, #tpu.memory_space<hbm>>
      %dma_start3A_29 = arith.constant 0 : i32
      %dma_start3A_30 = tpu.memref_slice %arg6[%arg0, %add3A_23, %dma_start3A_29] : memref<2x10240x128xf32, #tpu.memory_space<hbm>> -> memref<1x64x128xf32, #tpu.memory_space<hbm>>
      %dma_start3A_31 = tpu.memref_squeeze %dma_start3A_30 : memref<1x64x128xf32, #tpu.memory_space<hbm>> -> memref<64x128xf32, #tpu.memory_space<hbm>>
      %dma_start3A_32 = arith.constant 0 : i32
      %dma_start3A_33 = arith.constant 0 : i32
      %dma_start3A_34 = tpu.memref_slice %arg9[%dma_start3A_32, %dma_start3A_33] : memref<128x128xf32, #tpu.memory_space<vmem>> -> memref<64x128xf32, #tpu.memory_space<vmem>>
      tpu.enqueue_dma source(%dma_start3A_34 : memref<64x128xf32, #tpu.memory_space<vmem>>) target(%dma_start3A_31 : memref<64x128xf32, #tpu.memory_space<hbm>>) target_semaphore(%run_scoped3A : memref<!tpu.dma_semaphore, #tpu.memory_space<semaphore_mem>>)
      %dma_wait3A = arith.constant 0 : i32
      %dma_wait3A_35 = arith.constant 0 : i32
      %dma_wait3A_36 = tpu.memref_slice %arg9[%dma_wait3A, %dma_wait3A_35] : memref<128x128xf32, #tpu.memory_space<vmem>> -> memref<64x128xf32, #tpu.memory_space<vmem>>
      %dma_wait3A_37 = arith.constant 0 : i32
      %dma_wait3A_38 = tpu.memref_slice %arg6[%arg0, %add3A_23, %dma_wait3A_37] : memref<2x10240x128xf32, #tpu.memory_space<hbm>> -> memref<1x64x128xf32, #tpu.memory_space<hbm>>
      %dma_wait3A_39 = tpu.memref_squeeze %dma_wait3A_38 : memref<1x64x128xf32, #tpu.memory_space<hbm>> -> memref<64x128xf32, #tpu.memory_space<hbm>>
      %dma_wait3A_40 = arith.constant 0 : i32
      %dma_wait3A_41 = tpu.memref_slice %arg6[%arg0, %add3A_23, %dma_wait3A_40] : memref<2x10240x128xf32, #tpu.memory_space<hbm>> -> memref<1x64x128xf32, #tpu.memory_space<hbm>>
      %dma_wait3A_42 = tpu.memref_squeeze %dma_wait3A_41 : memref<1x64x128xf32, #tpu.memory_space<hbm>> -> memref<64x128xf32, #tpu.memory_space<hbm>>
      %dma_wait3A_43 = arith.constant 0 : i32
      %dma_wait3A_44 = arith.constant 0 : i32
      %dma_wait3A_45 = tpu.memref_slice %arg9[%dma_wait3A_43, %dma_wait3A_44] : memref<128x128xf32, #tpu.memory_space<vmem>> -> memref<64x128xf32, #tpu.memory_space<vmem>>
      tpu.wait_dma2 semaphore(%run_scoped3A : memref<!tpu.dma_semaphore, #tpu.memory_space<semaphore_mem>>) src(%dma_wait3A_45 : memref<64x128xf32, #tpu.memory_space<vmem>>) dst(%dma_wait3A_42 : memref<64x128xf32, #tpu.memory_space<hbm>>)
      tpu.yield
    }) : () -> ()
    return
  }
}

#map = affine_map<(d0, d1) -> (0, 0, 0)>
#map1 = affine_map<(d0, d1) -> (0, 0)>
module attributes {stable_mosaic.version = 14 : i64} {
  func.func @_sc_degree_body(%arg0: i32, %arg1: i32, %arg2: memref<32x80x128xi32, #tpu.memory_space<hbm>>, %arg3: memref<128x128xf32, #tpu.memory_space<hbm>>, %arg4: memref<128x128xf32, #tpu.memory_space<hbm>>, %arg5: memref<2x10240x128xf32, #tpu.memory_space<hbm>>, %arg6: memref<80x128xi32, #tpu.memory_space<vmem>>, %arg7: memref<128x128xf32, #tpu.memory_space<vmem>>, %arg8: memref<10240x128xf32, #tpu.memory_space<vmem_shared>>) attributes {dimension_semantics = [#tpu.dimension_semantics<core_parallel>, #tpu.dimension_semantics<subcore_parallel>], iteration_bounds = array<i64: 2, 16>, scalar_prefetch = 0 : i64, scratch_operands = 3 : i64, tpu.core_type = #tpu.core_type<sc_vector_subcore>, window_params = [{transform_indices = #map}, {transform_indices = #map1}, {transform_indices = #map1}, {transform_indices = #map}]} {
    %mul3A = arith.constant 16 : i32
    %mul3A_0 = arith.muli %arg0, %mul3A : i32
    %add3A = arith.addi %mul3A_0, %arg1 : i32
    %mul3A_1 = arith.constant 320 : i32
    %mul3A_2 = arith.muli %arg1, %mul3A_1 : i32
    "tpu.region"() ({
      %run_scoped3A = tpu.sem_alloc : memref<!tpu.dma_semaphore, #tpu.memory_space<semaphore_mem>>
      %dma_start3A = arith.constant 0 : i32
      %dma_start3A_24 = arith.constant 0 : i32
      %dma_start3A_25 = tpu.memref_slice %arg2[%add3A, %dma_start3A, %dma_start3A_24] : memref<32x80x128xi32, #tpu.memory_space<hbm>> -> memref<1x80x128xi32, #tpu.memory_space<hbm>>
      %dma_start3A_26 = tpu.memref_squeeze %dma_start3A_25 : memref<1x80x128xi32, #tpu.memory_space<hbm>> -> memref<80x128xi32, #tpu.memory_space<hbm>>
      %dma_start3A_27 = arith.constant 0 : i32
      %dma_start3A_28 = arith.constant 0 : i32
      %dma_start3A_29 = tpu.memref_slice %arg2[%add3A, %dma_start3A_27, %dma_start3A_28] : memref<32x80x128xi32, #tpu.memory_space<hbm>> -> memref<1x80x128xi32, #tpu.memory_space<hbm>>
      %dma_start3A_30 = tpu.memref_squeeze %dma_start3A_29 : memref<1x80x128xi32, #tpu.memory_space<hbm>> -> memref<80x128xi32, #tpu.memory_space<hbm>>
      tpu.enqueue_dma source(%dma_start3A_30 : memref<80x128xi32, #tpu.memory_space<hbm>>) target(%arg6 : memref<80x128xi32, #tpu.memory_space<vmem>>) target_semaphore(%run_scoped3A : memref<!tpu.dma_semaphore, #tpu.memory_space<semaphore_mem>>)
      %dma_wait3A = arith.constant 0 : i32
      %dma_wait3A_31 = arith.constant 0 : i32
      %dma_wait3A_32 = tpu.memref_slice %arg2[%add3A, %dma_wait3A, %dma_wait3A_31] : memref<32x80x128xi32, #tpu.memory_space<hbm>> -> memref<1x80x128xi32, #tpu.memory_space<hbm>>
      %dma_wait3A_33 = tpu.memref_squeeze %dma_wait3A_32 : memref<1x80x128xi32, #tpu.memory_space<hbm>> -> memref<80x128xi32, #tpu.memory_space<hbm>>
      %dma_wait3A_34 = arith.constant 0 : i32
      %dma_wait3A_35 = arith.constant 0 : i32
      %dma_wait3A_36 = tpu.memref_slice %arg2[%add3A, %dma_wait3A_34, %dma_wait3A_35] : memref<32x80x128xi32, #tpu.memory_space<hbm>> -> memref<1x80x128xi32, #tpu.memory_space<hbm>>
      %dma_wait3A_37 = tpu.memref_squeeze %dma_wait3A_36 : memref<1x80x128xi32, #tpu.memory_space<hbm>> -> memref<80x128xi32, #tpu.memory_space<hbm>>
      tpu.wait_dma2 semaphore(%run_scoped3A : memref<!tpu.dma_semaphore, #tpu.memory_space<semaphore_mem>>) src(%dma_wait3A_37 : memref<80x128xi32, #tpu.memory_space<hbm>>) dst(%arg6 : memref<80x128xi32, #tpu.memory_space<vmem>>)
      tpu.yield
    }) : () -> ()
    "tpu.region"() ({
      %run_scoped3A = tpu.sem_alloc : memref<!tpu.dma_semaphore, #tpu.memory_space<semaphore_mem>>
      tpu.enqueue_dma source(%arg4 : memref<128x128xf32, #tpu.memory_space<hbm>>) target(%arg7 : memref<128x128xf32, #tpu.memory_space<vmem>>) target_semaphore(%run_scoped3A : memref<!tpu.dma_semaphore, #tpu.memory_space<semaphore_mem>>)
      tpu.wait_dma2 semaphore(%run_scoped3A : memref<!tpu.dma_semaphore, #tpu.memory_space<semaphore_mem>>) src(%arg4 : memref<128x128xf32, #tpu.memory_space<hbm>>) dst(%arg7 : memref<128x128xf32, #tpu.memory_space<vmem>>)
      tpu.yield
    }) : () -> ()
    "tpu.region"() ({
      %run_scoped3A = tpu.sem_alloc : memref<!tpu.dma_semaphore, #tpu.memory_space<semaphore_mem>>
      %dma_start3A = arith.constant 0 : i32
      %dma_start3A_24 = tpu.memref_slice %arg8[%mul3A_2, %dma_start3A] : memref<10240x128xf32, #tpu.memory_space<vmem_shared>> -> memref<128x128xf32, #tpu.memory_space<vmem_shared>>
      %dma_start3A_25 = arith.constant 0 : i32
      %dma_start3A_26 = tpu.memref_slice %arg8[%mul3A_2, %dma_start3A_25] : memref<10240x128xf32, #tpu.memory_space<vmem_shared>> -> memref<128x128xf32, #tpu.memory_space<vmem_shared>>
      tpu.enqueue_dma source(%arg7 : memref<128x128xf32, #tpu.memory_space<vmem>>) target(%dma_start3A_26 : memref<128x128xf32, #tpu.memory_space<vmem_shared>>) target_semaphore(%run_scoped3A : memref<!tpu.dma_semaphore, #tpu.memory_space<semaphore_mem>>)
      %dma_wait3A = arith.constant 0 : i32
      %dma_wait3A_27 = tpu.memref_slice %arg8[%mul3A_2, %dma_wait3A] : memref<10240x128xf32, #tpu.memory_space<vmem_shared>> -> memref<128x128xf32, #tpu.memory_space<vmem_shared>>
      %dma_wait3A_28 = arith.constant 0 : i32
      %dma_wait3A_29 = tpu.memref_slice %arg8[%mul3A_2, %dma_wait3A_28] : memref<10240x128xf32, #tpu.memory_space<vmem_shared>> -> memref<128x128xf32, #tpu.memory_space<vmem_shared>>
      tpu.wait_dma2 semaphore(%run_scoped3A : memref<!tpu.dma_semaphore, #tpu.memory_space<semaphore_mem>>) src(%arg7 : memref<128x128xf32, #tpu.memory_space<vmem>>) dst(%dma_wait3A_29 : memref<128x128xf32, #tpu.memory_space<vmem_shared>>)
      tpu.yield
    }) : () -> ()
    %add3A_3 = arith.constant 128 : i32
    %add3A_4 = arith.addi %mul3A_2, %add3A_3 : i32
    "tpu.region"() ({
      %run_scoped3A = tpu.sem_alloc : memref<!tpu.dma_semaphore, #tpu.memory_space<semaphore_mem>>
      %dma_start3A = arith.constant 0 : i32
      %dma_start3A_24 = tpu.memref_slice %arg8[%add3A_4, %dma_start3A] : memref<10240x128xf32, #tpu.memory_space<vmem_shared>> -> memref<128x128xf32, #tpu.memory_space<vmem_shared>>
      %dma_start3A_25 = arith.constant 0 : i32
      %dma_start3A_26 = tpu.memref_slice %arg8[%add3A_4, %dma_start3A_25] : memref<10240x128xf32, #tpu.memory_space<vmem_shared>> -> memref<128x128xf32, #tpu.memory_space<vmem_shared>>
      tpu.enqueue_dma source(%arg7 : memref<128x128xf32, #tpu.memory_space<vmem>>) target(%dma_start3A_26 : memref<128x128xf32, #tpu.memory_space<vmem_shared>>) target_semaphore(%run_scoped3A : memref<!tpu.dma_semaphore, #tpu.memory_space<semaphore_mem>>)
      %dma_wait3A = arith.constant 0 : i32
      %dma_wait3A_27 = tpu.memref_slice %arg8[%add3A_4, %dma_wait3A] : memref<10240x128xf32, #tpu.memory_space<vmem_shared>> -> memref<128x128xf32, #tpu.memory_space<vmem_shared>>
      %dma_wait3A_28 = arith.constant 0 : i32
      %dma_wait3A_29 = tpu.memref_slice %arg8[%add3A_4, %dma_wait3A_28] : memref<10240x128xf32, #tpu.memory_space<vmem_shared>> -> memref<128x128xf32, #tpu.memory_space<vmem_shared>>
      tpu.wait_dma2 semaphore(%run_scoped3A : memref<!tpu.dma_semaphore, #tpu.memory_space<semaphore_mem>>) src(%arg7 : memref<128x128xf32, #tpu.memory_space<vmem>>) dst(%dma_wait3A_29 : memref<128x128xf32, #tpu.memory_space<vmem_shared>>)
      tpu.yield
    }) : () -> ()
    %add3A_5 = arith.constant 256 : i32
    %add3A_6 = arith.addi %mul3A_2, %add3A_5 : i32
    "tpu.region"() ({
      %run_scoped3A = tpu.sem_alloc : memref<!tpu.dma_semaphore, #tpu.memory_space<semaphore_mem>>
      %dma_start3A = arith.constant 0 : i32
      %dma_start3A_24 = arith.constant 0 : i32
      %dma_start3A_25 = tpu.memref_slice %arg7[%dma_start3A, %dma_start3A_24] : memref<128x128xf32, #tpu.memory_space<vmem>> -> memref<64x128xf32, #tpu.memory_space<vmem>>
      %dma_start3A_26 = arith.constant 0 : i32
      %dma_start3A_27 = tpu.memref_slice %arg8[%add3A_6, %dma_start3A_26] : memref<10240x128xf32, #tpu.memory_space<vmem_shared>> -> memref<64x128xf32, #tpu.memory_space<vmem_shared>>
      %dma_start3A_28 = arith.constant 0 : i32
      %dma_start3A_29 = tpu.memref_slice %arg8[%add3A_6, %dma_start3A_28] : memref<10240x128xf32, #tpu.memory_space<vmem_shared>> -> memref<64x128xf32, #tpu.memory_space<vmem_shared>>
      %dma_start3A_30 = arith.constant 0 : i32
      %dma_start3A_31 = arith.constant 0 : i32
      %dma_start3A_32 = tpu.memref_slice %arg7[%dma_start3A_30, %dma_start3A_31] : memref<128x128xf32, #tpu.memory_space<vmem>> -> memref<64x128xf32, #tpu.memory_space<vmem>>
      tpu.enqueue_dma source(%dma_start3A_32 : memref<64x128xf32, #tpu.memory_space<vmem>>) target(%dma_start3A_29 : memref<64x128xf32, #tpu.memory_space<vmem_shared>>) target_semaphore(%run_scoped3A : memref<!tpu.dma_semaphore, #tpu.memory_space<semaphore_mem>>)
      %dma_wait3A = arith.constant 0 : i32
      %dma_wait3A_33 = arith.constant 0 : i32
      %dma_wait3A_34 = tpu.memref_slice %arg7[%dma_wait3A, %dma_wait3A_33] : memref<128x128xf32, #tpu.memory_space<vmem>> -> memref<64x128xf32, #tpu.memory_space<vmem>>
      %dma_wait3A_35 = arith.constant 0 : i32
      %dma_wait3A_36 = tpu.memref_slice %arg8[%add3A_6, %dma_wait3A_35] : memref<10240x128xf32, #tpu.memory_space<vmem_shared>> -> memref<64x128xf32, #tpu.memory_space<vmem_shared>>
      %dma_wait3A_37 = arith.constant 0 : i32
      %dma_wait3A_38 = tpu.memref_slice %arg8[%add3A_6, %dma_wait3A_37] : memref<10240x128xf32, #tpu.memory_space<vmem_shared>> -> memref<64x128xf32, #tpu.memory_space<vmem_shared>>
      %dma_wait3A_39 = arith.constant 0 : i32
      %dma_wait3A_40 = arith.constant 0 : i32
      %dma_wait3A_41 = tpu.memref_slice %arg7[%dma_wait3A_39, %dma_wait3A_40] : memref<128x128xf32, #tpu.memory_space<vmem>> -> memref<64x128xf32, #tpu.memory_space<vmem>>
      tpu.wait_dma2 semaphore(%run_scoped3A : memref<!tpu.dma_semaphore, #tpu.memory_space<semaphore_mem>>) src(%dma_wait3A_41 : memref<64x128xf32, #tpu.memory_space<vmem>>) dst(%dma_wait3A_38 : memref<64x128xf32, #tpu.memory_space<vmem_shared>>)
      tpu.yield
    }) : () -> ()
    "tpu.region"() ({
      %run_scoped3A = tpu.sem_alloc : memref<!tpu.dma_semaphore, #tpu.memory_space<semaphore_mem>>
      tpu.enqueue_dma source(%arg3 : memref<128x128xf32, #tpu.memory_space<hbm>>) target(%arg7 : memref<128x128xf32, #tpu.memory_space<vmem>>) target_semaphore(%run_scoped3A : memref<!tpu.dma_semaphore, #tpu.memory_space<semaphore_mem>>)
      tpu.wait_dma2 semaphore(%run_scoped3A : memref<!tpu.dma_semaphore, #tpu.memory_space<semaphore_mem>>) src(%arg3 : memref<128x128xf32, #tpu.memory_space<hbm>>) dst(%arg7 : memref<128x128xf32, #tpu.memory_space<vmem>>)
      tpu.yield
    }) : () -> ()
    %barrier3A = arith.constant 0 : index
    tpu.barrier barrier_id(%barrier3A)
    %scan3A = arith.constant 0 : i32
    %scan3A_7 = arith.constant 80 : i32
    %scan3A_8 = arith.addi %scan3A, %scan3A_7 : i32
    %scan3A_9 = arith.constant 1 : i32
    scf.for %scan3A_24 = %scan3A to %scan3A_8 step %scan3A_9  : i32 {
      %mul3A_25 = arith.constant 1 : i32
      %mul3A_26 = arith.muli %scan3A_24, %mul3A_25 : i32
      %add3A_27 = arith.constant 0 : i32
      %add3A_28 = arith.addi %add3A_27, %mul3A_26 : i32
      "tpu.region"() ({
        %run_scoped3A = tpu.sem_alloc : memref<!tpu.dma_semaphore, #tpu.memory_space<semaphore_mem>>
        %dma_start3A = arith.constant 0 : i32
        %dma_start3A_29 = tpu.memref_slice %arg6[%add3A_28, %dma_start3A] : memref<80x128xi32, #tpu.memory_space<vmem>> -> memref<1x128xi32, #tpu.memory_space<vmem>>
        %dma_start3A_30 = tpu.memref_squeeze %dma_start3A_29 : memref<1x128xi32, #tpu.memory_space<vmem>> -> memref<128xi32, #tpu.memory_space<vmem>>
        %dma_start3A_31 = arith.constant 0 : i32
        %dma_start3A_32 = arith.constant 0 : i32
        %dma_start3A_33 = tpu.memref_slice %arg8[%dma_start3A_31, %dma_start3A_32] : memref<10240x128xf32, #tpu.memory_space<vmem_shared>> -> memref<10240x128xf32, #tpu.memory_space<vmem_shared>>
        tpu.enqueue_indirect_dma source(%arg7 : memref<128x128xf32, #tpu.memory_space<vmem>>) target(%dma_start3A_33 : memref<10240x128xf32, #tpu.memory_space<vmem_shared>>) offsets(%dma_start3A_30 : memref<128xi32, #tpu.memory_space<vmem>>) semaphore(%run_scoped3A : memref<!tpu.dma_semaphore, #tpu.memory_space<semaphore_mem>>) {add = true}
        %dma_wait3A = arith.constant 0 : i32
        %dma_wait3A_34 = tpu.memref_slice %arg6[%add3A_28, %dma_wait3A] : memref<80x128xi32, #tpu.memory_space<vmem>> -> memref<1x128xi32, #tpu.memory_space<vmem>>
        %dma_wait3A_35 = tpu.memref_squeeze %dma_wait3A_34 : memref<1x128xi32, #tpu.memory_space<vmem>> -> memref<128xi32, #tpu.memory_space<vmem>>
        %dma_wait3A_36 = arith.constant 0 : i32
        %dma_wait3A_37 = arith.constant 0 : i32
        %dma_wait3A_38 = tpu.memref_slice %arg8[%dma_wait3A_36, %dma_wait3A_37] : memref<10240x128xf32, #tpu.memory_space<vmem_shared>> -> memref<10240x128xf32, #tpu.memory_space<vmem_shared>>
        tpu.wait_indirect_dma semaphore(%run_scoped3A : memref<!tpu.dma_semaphore, #tpu.memory_space<semaphore_mem>>) src(%arg7 : memref<128x128xf32, #tpu.memory_space<vmem>>) dst(%dma_wait3A_38 : memref<10240x128xf32, #tpu.memory_space<vmem_shared>>)
        tpu.yield
      }) : () -> ()
    }
    %scan3A_10 = arith.constant 80 : i32
    %barrier3A_11 = arith.constant 0 : index
    tpu.barrier barrier_id(%barrier3A_11)
    %add3A_12 = arith.constant 0 : i32
    %add3A_13 = arith.addi %mul3A_2, %add3A_12 : i32
    "tpu.region"() ({
      %run_scoped3A = tpu.sem_alloc : memref<!tpu.dma_semaphore, #tpu.memory_space<semaphore_mem>>
      %dma_start3A = arith.constant 0 : i32
      %dma_start3A_24 = arith.constant 0 : i32
      %dma_start3A_25 = tpu.memref_slice %arg7[%dma_start3A, %dma_start3A_24] : memref<128x128xf32, #tpu.memory_space<vmem>> -> memref<128x128xf32, #tpu.memory_space<vmem>>
      %dma_start3A_26 = arith.constant 0 : i32
      %dma_start3A_27 = tpu.memref_slice %arg8[%add3A_13, %dma_start3A_26] : memref<10240x128xf32, #tpu.memory_space<vmem_shared>> -> memref<128x128xf32, #tpu.memory_space<vmem_shared>>
      %dma_start3A_28 = arith.constant 0 : i32
      %dma_start3A_29 = arith.constant 0 : i32
      %dma_start3A_30 = tpu.memref_slice %arg7[%dma_start3A_28, %dma_start3A_29] : memref<128x128xf32, #tpu.memory_space<vmem>> -> memref<128x128xf32, #tpu.memory_space<vmem>>
      %dma_start3A_31 = arith.constant 0 : i32
      %dma_start3A_32 = tpu.memref_slice %arg8[%add3A_13, %dma_start3A_31] : memref<10240x128xf32, #tpu.memory_space<vmem_shared>> -> memref<128x128xf32, #tpu.memory_space<vmem_shared>>
      tpu.enqueue_dma source(%dma_start3A_32 : memref<128x128xf32, #tpu.memory_space<vmem_shared>>) target(%dma_start3A_30 : memref<128x128xf32, #tpu.memory_space<vmem>>) target_semaphore(%run_scoped3A : memref<!tpu.dma_semaphore, #tpu.memory_space<semaphore_mem>>)
      %dma_wait3A = arith.constant 0 : i32
      %dma_wait3A_33 = arith.constant 0 : i32
      %dma_wait3A_34 = tpu.memref_slice %arg7[%dma_wait3A, %dma_wait3A_33] : memref<128x128xf32, #tpu.memory_space<vmem>> -> memref<128x128xf32, #tpu.memory_space<vmem>>
      %dma_wait3A_35 = arith.constant 0 : i32
      %dma_wait3A_36 = tpu.memref_slice %arg8[%add3A_13, %dma_wait3A_35] : memref<10240x128xf32, #tpu.memory_space<vmem_shared>> -> memref<128x128xf32, #tpu.memory_space<vmem_shared>>
      %dma_wait3A_37 = arith.constant 0 : i32
      %dma_wait3A_38 = arith.constant 0 : i32
      %dma_wait3A_39 = tpu.memref_slice %arg7[%dma_wait3A_37, %dma_wait3A_38] : memref<128x128xf32, #tpu.memory_space<vmem>> -> memref<128x128xf32, #tpu.memory_space<vmem>>
      %dma_wait3A_40 = arith.constant 0 : i32
      %dma_wait3A_41 = tpu.memref_slice %arg8[%add3A_13, %dma_wait3A_40] : memref<10240x128xf32, #tpu.memory_space<vmem_shared>> -> memref<128x128xf32, #tpu.memory_space<vmem_shared>>
      tpu.wait_dma2 semaphore(%run_scoped3A : memref<!tpu.dma_semaphore, #tpu.memory_space<semaphore_mem>>) src(%dma_wait3A_41 : memref<128x128xf32, #tpu.memory_space<vmem_shared>>) dst(%dma_wait3A_39 : memref<128x128xf32, #tpu.memory_space<vmem>>)
      tpu.yield
    }) : () -> ()
    %add3A_14 = arith.constant 0 : i32
    %add3A_15 = arith.addi %mul3A_2, %add3A_14 : i32
    "tpu.region"() ({
      %run_scoped3A = tpu.sem_alloc : memref<!tpu.dma_semaphore, #tpu.memory_space<semaphore_mem>>
      %dma_start3A = arith.constant 0 : i32
      %dma_start3A_24 = arith.constant 0 : i32
      %dma_start3A_25 = tpu.memref_slice %arg7[%dma_start3A, %dma_start3A_24] : memref<128x128xf32, #tpu.memory_space<vmem>> -> memref<128x128xf32, #tpu.memory_space<vmem>>
      %dma_start3A_26 = arith.constant 0 : i32
      %dma_start3A_27 = tpu.memref_slice %arg5[%arg0, %add3A_15, %dma_start3A_26] : memref<2x10240x128xf32, #tpu.memory_space<hbm>> -> memref<1x128x128xf32, #tpu.memory_space<hbm>>
      %dma_start3A_28 = tpu.memref_squeeze %dma_start3A_27 : memref<1x128x128xf32, #tpu.memory_space<hbm>> -> memref<128x128xf32, #tpu.memory_space<hbm>>
      %dma_start3A_29 = arith.constant 0 : i32
      %dma_start3A_30 = tpu.memref_slice %arg5[%arg0, %add3A_15, %dma_start3A_29] : memref<2x10240x128xf32, #tpu.memory_space<hbm>> -> memref<1x128x128xf32, #tpu.memory_space<hbm>>
      %dma_start3A_31 = tpu.memref_squeeze %dma_start3A_30 : memref<1x128x128xf32, #tpu.memory_space<hbm>> -> memref<128x128xf32, #tpu.memory_space<hbm>>
      %dma_start3A_32 = arith.constant 0 : i32
      %dma_start3A_33 = arith.constant 0 : i32
      %dma_start3A_34 = tpu.memref_slice %arg7[%dma_start3A_32, %dma_start3A_33] : memref<128x128xf32, #tpu.memory_space<vmem>> -> memref<128x128xf32, #tpu.memory_space<vmem>>
      tpu.enqueue_dma source(%dma_start3A_34 : memref<128x128xf32, #tpu.memory_space<vmem>>) target(%dma_start3A_31 : memref<128x128xf32, #tpu.memory_space<hbm>>) target_semaphore(%run_scoped3A : memref<!tpu.dma_semaphore, #tpu.memory_space<semaphore_mem>>)
      %dma_wait3A = arith.constant 0 : i32
      %dma_wait3A_35 = arith.constant 0 : i32
      %dma_wait3A_36 = tpu.memref_slice %arg7[%dma_wait3A, %dma_wait3A_35] : memref<128x128xf32, #tpu.memory_space<vmem>> -> memref<128x128xf32, #tpu.memory_space<vmem>>
      %dma_wait3A_37 = arith.constant 0 : i32
      %dma_wait3A_38 = tpu.memref_slice %arg5[%arg0, %add3A_15, %dma_wait3A_37] : memref<2x10240x128xf32, #tpu.memory_space<hbm>> -> memref<1x128x128xf32, #tpu.memory_space<hbm>>
      %dma_wait3A_39 = tpu.memref_squeeze %dma_wait3A_38 : memref<1x128x128xf32, #tpu.memory_space<hbm>> -> memref<128x128xf32, #tpu.memory_space<hbm>>
      %dma_wait3A_40 = arith.constant 0 : i32
      %dma_wait3A_41 = tpu.memref_slice %arg5[%arg0, %add3A_15, %dma_wait3A_40] : memref<2x10240x128xf32, #tpu.memory_space<hbm>> -> memref<1x128x128xf32, #tpu.memory_space<hbm>>
      %dma_wait3A_42 = tpu.memref_squeeze %dma_wait3A_41 : memref<1x128x128xf32, #tpu.memory_space<hbm>> -> memref<128x128xf32, #tpu.memory_space<hbm>>
      %dma_wait3A_43 = arith.constant 0 : i32
      %dma_wait3A_44 = arith.constant 0 : i32
      %dma_wait3A_45 = tpu.memref_slice %arg7[%dma_wait3A_43, %dma_wait3A_44] : memref<128x128xf32, #tpu.memory_space<vmem>> -> memref<128x128xf32, #tpu.memory_space<vmem>>
      tpu.wait_dma2 semaphore(%run_scoped3A : memref<!tpu.dma_semaphore, #tpu.memory_space<semaphore_mem>>) src(%dma_wait3A_45 : memref<128x128xf32, #tpu.memory_space<vmem>>) dst(%dma_wait3A_42 : memref<128x128xf32, #tpu.memory_space<hbm>>)
      tpu.yield
    }) : () -> ()
    %add3A_16 = arith.constant 128 : i32
    %add3A_17 = arith.addi %mul3A_2, %add3A_16 : i32
    "tpu.region"() ({
      %run_scoped3A = tpu.sem_alloc : memref<!tpu.dma_semaphore, #tpu.memory_space<semaphore_mem>>
      %dma_start3A = arith.constant 0 : i32
      %dma_start3A_24 = arith.constant 0 : i32
      %dma_start3A_25 = tpu.memref_slice %arg7[%dma_start3A, %dma_start3A_24] : memref<128x128xf32, #tpu.memory_space<vmem>> -> memref<128x128xf32, #tpu.memory_space<vmem>>
      %dma_start3A_26 = arith.constant 0 : i32
      %dma_start3A_27 = tpu.memref_slice %arg8[%add3A_17, %dma_start3A_26] : memref<10240x128xf32, #tpu.memory_space<vmem_shared>> -> memref<128x128xf32, #tpu.memory_space<vmem_shared>>
      %dma_start3A_28 = arith.constant 0 : i32
      %dma_start3A_29 = arith.constant 0 : i32
      %dma_start3A_30 = tpu.memref_slice %arg7[%dma_start3A_28, %dma_start3A_29] : memref<128x128xf32, #tpu.memory_space<vmem>> -> memref<128x128xf32, #tpu.memory_space<vmem>>
      %dma_start3A_31 = arith.constant 0 : i32
      %dma_start3A_32 = tpu.memref_slice %arg8[%add3A_17, %dma_start3A_31] : memref<10240x128xf32, #tpu.memory_space<vmem_shared>> -> memref<128x128xf32, #tpu.memory_space<vmem_shared>>
      tpu.enqueue_dma source(%dma_start3A_32 : memref<128x128xf32, #tpu.memory_space<vmem_shared>>) target(%dma_start3A_30 : memref<128x128xf32, #tpu.memory_space<vmem>>) target_semaphore(%run_scoped3A : memref<!tpu.dma_semaphore, #tpu.memory_space<semaphore_mem>>)
      %dma_wait3A = arith.constant 0 : i32
      %dma_wait3A_33 = arith.constant 0 : i32
      %dma_wait3A_34 = tpu.memref_slice %arg7[%dma_wait3A, %dma_wait3A_33] : memref<128x128xf32, #tpu.memory_space<vmem>> -> memref<128x128xf32, #tpu.memory_space<vmem>>
      %dma_wait3A_35 = arith.constant 0 : i32
      %dma_wait3A_36 = tpu.memref_slice %arg8[%add3A_17, %dma_wait3A_35] : memref<10240x128xf32, #tpu.memory_space<vmem_shared>> -> memref<128x128xf32, #tpu.memory_space<vmem_shared>>
      %dma_wait3A_37 = arith.constant 0 : i32
      %dma_wait3A_38 = arith.constant 0 : i32
      %dma_wait3A_39 = tpu.memref_slice %arg7[%dma_wait3A_37, %dma_wait3A_38] : memref<128x128xf32, #tpu.memory_space<vmem>> -> memref<128x128xf32, #tpu.memory_space<vmem>>
      %dma_wait3A_40 = arith.constant 0 : i32
      %dma_wait3A_41 = tpu.memref_slice %arg8[%add3A_17, %dma_wait3A_40] : memref<10240x128xf32, #tpu.memory_space<vmem_shared>> -> memref<128x128xf32, #tpu.memory_space<vmem_shared>>
      tpu.wait_dma2 semaphore(%run_scoped3A : memref<!tpu.dma_semaphore, #tpu.memory_space<semaphore_mem>>) src(%dma_wait3A_41 : memref<128x128xf32, #tpu.memory_space<vmem_shared>>) dst(%dma_wait3A_39 : memref<128x128xf32, #tpu.memory_space<vmem>>)
      tpu.yield
    }) : () -> ()
    %add3A_18 = arith.constant 128 : i32
    %add3A_19 = arith.addi %mul3A_2, %add3A_18 : i32
    "tpu.region"() ({
      %run_scoped3A = tpu.sem_alloc : memref<!tpu.dma_semaphore, #tpu.memory_space<semaphore_mem>>
      %dma_start3A = arith.constant 0 : i32
      %dma_start3A_24 = arith.constant 0 : i32
      %dma_start3A_25 = tpu.memref_slice %arg7[%dma_start3A, %dma_start3A_24] : memref<128x128xf32, #tpu.memory_space<vmem>> -> memref<128x128xf32, #tpu.memory_space<vmem>>
      %dma_start3A_26 = arith.constant 0 : i32
      %dma_start3A_27 = tpu.memref_slice %arg5[%arg0, %add3A_19, %dma_start3A_26] : memref<2x10240x128xf32, #tpu.memory_space<hbm>> -> memref<1x128x128xf32, #tpu.memory_space<hbm>>
      %dma_start3A_28 = tpu.memref_squeeze %dma_start3A_27 : memref<1x128x128xf32, #tpu.memory_space<hbm>> -> memref<128x128xf32, #tpu.memory_space<hbm>>
      %dma_start3A_29 = arith.constant 0 : i32
      %dma_start3A_30 = tpu.memref_slice %arg5[%arg0, %add3A_19, %dma_start3A_29] : memref<2x10240x128xf32, #tpu.memory_space<hbm>> -> memref<1x128x128xf32, #tpu.memory_space<hbm>>
      %dma_start3A_31 = tpu.memref_squeeze %dma_start3A_30 : memref<1x128x128xf32, #tpu.memory_space<hbm>> -> memref<128x128xf32, #tpu.memory_space<hbm>>
      %dma_start3A_32 = arith.constant 0 : i32
      %dma_start3A_33 = arith.constant 0 : i32
      %dma_start3A_34 = tpu.memref_slice %arg7[%dma_start3A_32, %dma_start3A_33] : memref<128x128xf32, #tpu.memory_space<vmem>> -> memref<128x128xf32, #tpu.memory_space<vmem>>
      tpu.enqueue_dma source(%dma_start3A_34 : memref<128x128xf32, #tpu.memory_space<vmem>>) target(%dma_start3A_31 : memref<128x128xf32, #tpu.memory_space<hbm>>) target_semaphore(%run_scoped3A : memref<!tpu.dma_semaphore, #tpu.memory_space<semaphore_mem>>)
      %dma_wait3A = arith.constant 0 : i32
      %dma_wait3A_35 = arith.constant 0 : i32
      %dma_wait3A_36 = tpu.memref_slice %arg7[%dma_wait3A, %dma_wait3A_35] : memref<128x128xf32, #tpu.memory_space<vmem>> -> memref<128x128xf32, #tpu.memory_space<vmem>>
      %dma_wait3A_37 = arith.constant 0 : i32
      %dma_wait3A_38 = tpu.memref_slice %arg5[%arg0, %add3A_19, %dma_wait3A_37] : memref<2x10240x128xf32, #tpu.memory_space<hbm>> -> memref<1x128x128xf32, #tpu.memory_space<hbm>>
      %dma_wait3A_39 = tpu.memref_squeeze %dma_wait3A_38 : memref<1x128x128xf32, #tpu.memory_space<hbm>> -> memref<128x128xf32, #tpu.memory_space<hbm>>
      %dma_wait3A_40 = arith.constant 0 : i32
      %dma_wait3A_41 = tpu.memref_slice %arg5[%arg0, %add3A_19, %dma_wait3A_40] : memref<2x10240x128xf32, #tpu.memory_space<hbm>> -> memref<1x128x128xf32, #tpu.memory_space<hbm>>
      %dma_wait3A_42 = tpu.memref_squeeze %dma_wait3A_41 : memref<1x128x128xf32, #tpu.memory_space<hbm>> -> memref<128x128xf32, #tpu.memory_space<hbm>>
      %dma_wait3A_43 = arith.constant 0 : i32
      %dma_wait3A_44 = arith.constant 0 : i32
      %dma_wait3A_45 = tpu.memref_slice %arg7[%dma_wait3A_43, %dma_wait3A_44] : memref<128x128xf32, #tpu.memory_space<vmem>> -> memref<128x128xf32, #tpu.memory_space<vmem>>
      tpu.wait_dma2 semaphore(%run_scoped3A : memref<!tpu.dma_semaphore, #tpu.memory_space<semaphore_mem>>) src(%dma_wait3A_45 : memref<128x128xf32, #tpu.memory_space<vmem>>) dst(%dma_wait3A_42 : memref<128x128xf32, #tpu.memory_space<hbm>>)
      tpu.yield
    }) : () -> ()
    %add3A_20 = arith.constant 256 : i32
    %add3A_21 = arith.addi %mul3A_2, %add3A_20 : i32
    "tpu.region"() ({
      %run_scoped3A = tpu.sem_alloc : memref<!tpu.dma_semaphore, #tpu.memory_space<semaphore_mem>>
      %dma_start3A = arith.constant 0 : i32
      %dma_start3A_24 = arith.constant 0 : i32
      %dma_start3A_25 = tpu.memref_slice %arg7[%dma_start3A, %dma_start3A_24] : memref<128x128xf32, #tpu.memory_space<vmem>> -> memref<64x128xf32, #tpu.memory_space<vmem>>
      %dma_start3A_26 = arith.constant 0 : i32
      %dma_start3A_27 = tpu.memref_slice %arg8[%add3A_21, %dma_start3A_26] : memref<10240x128xf32, #tpu.memory_space<vmem_shared>> -> memref<64x128xf32, #tpu.memory_space<vmem_shared>>
      %dma_start3A_28 = arith.constant 0 : i32
      %dma_start3A_29 = arith.constant 0 : i32
      %dma_start3A_30 = tpu.memref_slice %arg7[%dma_start3A_28, %dma_start3A_29] : memref<128x128xf32, #tpu.memory_space<vmem>> -> memref<64x128xf32, #tpu.memory_space<vmem>>
      %dma_start3A_31 = arith.constant 0 : i32
      %dma_start3A_32 = tpu.memref_slice %arg8[%add3A_21, %dma_start3A_31] : memref<10240x128xf32, #tpu.memory_space<vmem_shared>> -> memref<64x128xf32, #tpu.memory_space<vmem_shared>>
      tpu.enqueue_dma source(%dma_start3A_32 : memref<64x128xf32, #tpu.memory_space<vmem_shared>>) target(%dma_start3A_30 : memref<64x128xf32, #tpu.memory_space<vmem>>) target_semaphore(%run_scoped3A : memref<!tpu.dma_semaphore, #tpu.memory_space<semaphore_mem>>)
      %dma_wait3A = arith.constant 0 : i32
      %dma_wait3A_33 = arith.constant 0 : i32
      %dma_wait3A_34 = tpu.memref_slice %arg7[%dma_wait3A, %dma_wait3A_33] : memref<128x128xf32, #tpu.memory_space<vmem>> -> memref<64x128xf32, #tpu.memory_space<vmem>>
      %dma_wait3A_35 = arith.constant 0 : i32
      %dma_wait3A_36 = tpu.memref_slice %arg8[%add3A_21, %dma_wait3A_35] : memref<10240x128xf32, #tpu.memory_space<vmem_shared>> -> memref<64x128xf32, #tpu.memory_space<vmem_shared>>
      %dma_wait3A_37 = arith.constant 0 : i32
      %dma_wait3A_38 = arith.constant 0 : i32
      %dma_wait3A_39 = tpu.memref_slice %arg7[%dma_wait3A_37, %dma_wait3A_38] : memref<128x128xf32, #tpu.memory_space<vmem>> -> memref<64x128xf32, #tpu.memory_space<vmem>>
      %dma_wait3A_40 = arith.constant 0 : i32
      %dma_wait3A_41 = tpu.memref_slice %arg8[%add3A_21, %dma_wait3A_40] : memref<10240x128xf32, #tpu.memory_space<vmem_shared>> -> memref<64x128xf32, #tpu.memory_space<vmem_shared>>
      tpu.wait_dma2 semaphore(%run_scoped3A : memref<!tpu.dma_semaphore, #tpu.memory_space<semaphore_mem>>) src(%dma_wait3A_41 : memref<64x128xf32, #tpu.memory_space<vmem_shared>>) dst(%dma_wait3A_39 : memref<64x128xf32, #tpu.memory_space<vmem>>)
      tpu.yield
    }) : () -> ()
    %add3A_22 = arith.constant 256 : i32
    %add3A_23 = arith.addi %mul3A_2, %add3A_22 : i32
    "tpu.region"() ({
      %run_scoped3A = tpu.sem_alloc : memref<!tpu.dma_semaphore, #tpu.memory_space<semaphore_mem>>
      %dma_start3A = arith.constant 0 : i32
      %dma_start3A_24 = arith.constant 0 : i32
      %dma_start3A_25 = tpu.memref_slice %arg7[%dma_start3A, %dma_start3A_24] : memref<128x128xf32, #tpu.memory_space<vmem>> -> memref<64x128xf32, #tpu.memory_space<vmem>>
      %dma_start3A_26 = arith.constant 0 : i32
      %dma_start3A_27 = tpu.memref_slice %arg5[%arg0, %add3A_23, %dma_start3A_26] : memref<2x10240x128xf32, #tpu.memory_space<hbm>> -> memref<1x64x128xf32, #tpu.memory_space<hbm>>
      %dma_start3A_28 = tpu.memref_squeeze %dma_start3A_27 : memref<1x64x128xf32, #tpu.memory_space<hbm>> -> memref<64x128xf32, #tpu.memory_space<hbm>>
      %dma_start3A_29 = arith.constant 0 : i32
      %dma_start3A_30 = tpu.memref_slice %arg5[%arg0, %add3A_23, %dma_start3A_29] : memref<2x10240x128xf32, #tpu.memory_space<hbm>> -> memref<1x64x128xf32, #tpu.memory_space<hbm>>
      %dma_start3A_31 = tpu.memref_squeeze %dma_start3A_30 : memref<1x64x128xf32, #tpu.memory_space<hbm>> -> memref<64x128xf32, #tpu.memory_space<hbm>>
      %dma_start3A_32 = arith.constant 0 : i32
      %dma_start3A_33 = arith.constant 0 : i32
      %dma_start3A_34 = tpu.memref_slice %arg7[%dma_start3A_32, %dma_start3A_33] : memref<128x128xf32, #tpu.memory_space<vmem>> -> memref<64x128xf32, #tpu.memory_space<vmem>>
      tpu.enqueue_dma source(%dma_start3A_34 : memref<64x128xf32, #tpu.memory_space<vmem>>) target(%dma_start3A_31 : memref<64x128xf32, #tpu.memory_space<hbm>>) target_semaphore(%run_scoped3A : memref<!tpu.dma_semaphore, #tpu.memory_space<semaphore_mem>>)
      %dma_wait3A = arith.constant 0 : i32
      %dma_wait3A_35 = arith.constant 0 : i32
      %dma_wait3A_36 = tpu.memref_slice %arg7[%dma_wait3A, %dma_wait3A_35] : memref<128x128xf32, #tpu.memory_space<vmem>> -> memref<64x128xf32, #tpu.memory_space<vmem>>
      %dma_wait3A_37 = arith.constant 0 : i32
      %dma_wait3A_38 = tpu.memref_slice %arg5[%arg0, %add3A_23, %dma_wait3A_37] : memref<2x10240x128xf32, #tpu.memory_space<hbm>> -> memref<1x64x128xf32, #tpu.memory_space<hbm>>
      %dma_wait3A_39 = tpu.memref_squeeze %dma_wait3A_38 : memref<1x64x128xf32, #tpu.memory_space<hbm>> -> memref<64x128xf32, #tpu.memory_space<hbm>>
      %dma_wait3A_40 = arith.constant 0 : i32
      %dma_wait3A_41 = tpu.memref_slice %arg5[%arg0, %add3A_23, %dma_wait3A_40] : memref<2x10240x128xf32, #tpu.memory_space<hbm>> -> memref<1x64x128xf32, #tpu.memory_space<hbm>>
      %dma_wait3A_42 = tpu.memref_squeeze %dma_wait3A_41 : memref<1x64x128xf32, #tpu.memory_space<hbm>> -> memref<64x128xf32, #tpu.memory_space<hbm>>
      %dma_wait3A_43 = arith.constant 0 : i32
      %dma_wait3A_44 = arith.constant 0 : i32
      %dma_wait3A_45 = tpu.memref_slice %arg7[%dma_wait3A_43, %dma_wait3A_44] : memref<128x128xf32, #tpu.memory_space<vmem>> -> memref<64x128xf32, #tpu.memory_space<vmem>>
      tpu.wait_dma2 semaphore(%run_scoped3A : memref<!tpu.dma_semaphore, #tpu.memory_space<semaphore_mem>>) src(%dma_wait3A_45 : memref<64x128xf32, #tpu.memory_space<vmem>>) dst(%dma_wait3A_42 : memref<64x128xf32, #tpu.memory_space<hbm>>)
      tpu.yield
    }) : () -> ()
    return
  }
}

module attributes {stable_mosaic.version = 14 : i64} {
  func.func @_tc_g1_body(%arg0: i32, %arg1: memref<400x128xf32, #tpu.memory_space<vmem>>, %arg2: memref<128x128xf32, #tpu.memory_space<vmem>>, %arg3: memref<2x400x128xf32, #tpu.memory_space<vmem>>, %arg4: memref<400x128xf32, #tpu.memory_space<vmem>>) attributes {dimension_semantics = [#tpu.dimension_semantics<arbitrary>], iteration_bounds = array<i64: 25>, scalar_prefetch = 0 : i64, scratch_operands = 0 : i64, tpu.core_type = #tpu.core_type<tc>, window_params = [{transform_indices = @transform_0, window_bounds = array<i64: 400, 128>}, {pipeline_mode = #tpu.pipeline_mode<synchronous>, transform_indices = @transform_1, window_bounds = array<i64: 128, 128>}, {transform_indices = @transform_2, window_bounds = array<i64: 2, 400, 128>}, {transform_indices = @transform_3, window_bounds = array<i64: 400, 128>}]} {
    %get3A = arith.constant 0 : index
    %get3A_0 = arith.constant 0 : index
    %get3A_1 = vector.load %arg1[%get3A, %get3A_0] : memref<400x128xf32, #tpu.memory_space<vmem>>, vector<400x128xf32>
    %get3A_2 = arith.constant 0 : index
    %get3A_3 = arith.constant 0 : index
    %get3A_4 = vector.load %arg2[%get3A_2, %get3A_3] : memref<128x128xf32, #tpu.memory_space<vmem>>, vector<128x128xf32>
    %dot_general3A = arith.constant dense<0.000000e+00> : vector<400x128xf32>
    %dot_general3A_5 = tpu.matmul %get3A_1, %get3A_4, %dot_general3A {dimension_numbers = #tpu.dot_dimension_numbers<[1], [0], [0], [1], [0, 0, 1, 1], [], []>, transpose_lhs_hint = false} : vector<400x128xf32>, vector<128x128xf32>, vector<400x128xf32> -> vector<400x128xf32>
    %get3A_6 = arith.constant 0 : index
    %get3A_7 = arith.constant 0 : index
    %get3A_8 = arith.constant 0 : index
    %get3A_9 = vector.load %arg3[%get3A_6, %get3A_7, %get3A_8] : memref<2x400x128xf32, #tpu.memory_space<vmem>>, vector<1x400x1xf32>
    %get3A_10 = vector.shape_cast %get3A_9 : vector<1x400x1xf32> to vector<400x1xf32>
    %get3A_11 = arith.constant 1 : index
    %get3A_12 = arith.constant 0 : index
    %get3A_13 = arith.constant 0 : index
    %get3A_14 = vector.load %arg3[%get3A_11, %get3A_12, %get3A_13] : memref<2x400x128xf32, #tpu.memory_space<vmem>>, vector<1x400x1xf32>
    %get3A_15 = vector.shape_cast %get3A_14 : vector<1x400x1xf32> to vector<400x1xf32>
    %add3A = arith.addf %get3A_10, %get3A_15 : vector<400x1xf32>
    %add3A_16 = arith.constant 1.000000e+00 : f32
    %add3A_17 = vector.broadcast %add3A_16 : f32 to vector<400x1xf32>
    %add3A_18 = arith.addf %add3A, %add3A_17 : vector<400x1xf32>
    %rsqrt3A = math.rsqrt %add3A_18 : vector<400x1xf32>
    %mul3A = vector.broadcast %rsqrt3A : vector<400x1xf32> to vector<400x128xf32>
    %mul3A_19 = arith.mulf %dot_general3A_5, %mul3A : vector<400x128xf32>
    %swap3A = arith.constant 0 : index
    %swap3A_20 = arith.constant 0 : index
    %swap3A_21 = vector.load %arg4[%swap3A, %swap3A_20] : memref<400x128xf32, #tpu.memory_space<vmem>>, vector<400x128xf32>
    tpu.vector_store %arg4[%swap3A, %swap3A_20], %mul3A_19 {strides = array<i32>} : memref<400x128xf32, #tpu.memory_space<vmem>>, vector<400x128xf32>,
    return
  }
  func.func @transform_0(%arg0: i32) -> (i32, i32) {
    %c0_i32 = arith.constant 0 : i32
    %c0_i32_0 = arith.constant 0 : i32
    return %arg0, %c0_i32 : i32, i32
  }
  func.func @transform_1(%arg0: i32) -> (i32, i32) {
    %c0_i32 = arith.constant 0 : i32
    %c0_i32_0 = arith.constant 0 : i32
    %c0_i32_1 = arith.constant 0 : i32
    return %c0_i32, %c0_i32_0 : i32, i32
  }
  func.func @transform_2(%arg0: i32) -> (i32, i32, i32) {
    %c0_i32 = arith.constant 0 : i32
    %c0_i32_0 = arith.constant 0 : i32
    %c0_i32_1 = arith.constant 0 : i32
    return %c0_i32, %arg0, %c0_i32_0 : i32, i32, i32
  }
  func.func @transform_3(%arg0: i32) -> (i32, i32) {
    %c0_i32 = arith.constant 0 : i32
    %c0_i32_0 = arith.constant 0 : i32
    return %arg0, %c0_i32 : i32, i32
  }
}

module attributes {stable_mosaic.version = 14 : i64} {
  func.func @_tc_g2_body(%arg0: i32, %arg1: memref<2x400x128xf32, #tpu.memory_space<vmem>>, %arg2: memref<400x128xf32, #tpu.memory_space<vmem>>, %arg3: memref<2x400x128xf32, #tpu.memory_space<vmem>>, %arg4: memref<1x128xf32, #tpu.memory_space<vmem>>, %arg5: memref<128x128xf32, #tpu.memory_space<vmem>>, %arg6: memref<400x128xf32, #tpu.memory_space<vmem>>) attributes {dimension_semantics = [#tpu.dimension_semantics<arbitrary>], iteration_bounds = array<i64: 25>, scalar_prefetch = 0 : i64, scratch_operands = 0 : i64, tpu.core_type = #tpu.core_type<tc>, window_params = [{transform_indices = @transform_0, window_bounds = array<i64: 2, 400, 128>}, {transform_indices = @transform_1, window_bounds = array<i64: 400, 128>}, {transform_indices = @transform_2, window_bounds = array<i64: 2, 400, 128>}, {pipeline_mode = #tpu.pipeline_mode<synchronous>, transform_indices = @transform_3, window_bounds = array<i64: 1, 128>}, {pipeline_mode = #tpu.pipeline_mode<synchronous>, transform_indices = @transform_4, window_bounds = array<i64: 128, 128>}, {transform_indices = @transform_5, window_bounds = array<i64: 400, 128>}]} {
    %get3A = arith.constant 0 : index
    %get3A_0 = arith.constant 0 : index
    %get3A_1 = arith.constant 0 : index
    %get3A_2 = vector.load %arg3[%get3A, %get3A_0, %get3A_1] : memref<2x400x128xf32, #tpu.memory_space<vmem>>, vector<1x400x1xf32>
    %get3A_3 = vector.shape_cast %get3A_2 : vector<1x400x1xf32> to vector<400x1xf32>
    %get3A_4 = arith.constant 1 : index
    %get3A_5 = arith.constant 0 : index
    %get3A_6 = arith.constant 0 : index
    %get3A_7 = vector.load %arg3[%get3A_4, %get3A_5, %get3A_6] : memref<2x400x128xf32, #tpu.memory_space<vmem>>, vector<1x400x1xf32>
    %get3A_8 = vector.shape_cast %get3A_7 : vector<1x400x1xf32> to vector<400x1xf32>
    %add3A = arith.addf %get3A_3, %get3A_8 : vector<400x1xf32>
    %add3A_9 = arith.constant 1.000000e+00 : f32
    %add3A_10 = vector.broadcast %add3A_9 : f32 to vector<400x1xf32>
    %add3A_11 = arith.addf %add3A, %add3A_10 : vector<400x1xf32>
    %rsqrt3A = math.rsqrt %add3A_11 : vector<400x1xf32>
    %get3A_12 = arith.constant 0 : index
    %get3A_13 = arith.constant 0 : index
    %get3A_14 = arith.constant 0 : index
    %get3A_15 = vector.load %arg1[%get3A_12, %get3A_13, %get3A_14] : memref<2x400x128xf32, #tpu.memory_space<vmem>>, vector<1x400x128xf32>
    %get3A_16 = vector.shape_cast %get3A_15 : vector<1x400x128xf32> to vector<400x128xf32>
    %get3A_17 = arith.constant 1 : index
    %get3A_18 = arith.constant 0 : index
    %get3A_19 = arith.constant 0 : index
    %get3A_20 = vector.load %arg1[%get3A_17, %get3A_18, %get3A_19] : memref<2x400x128xf32, #tpu.memory_space<vmem>>, vector<1x400x128xf32>
    %get3A_21 = vector.shape_cast %get3A_20 : vector<1x400x128xf32> to vector<400x128xf32>
    %add3A_22 = arith.addf %get3A_16, %get3A_21 : vector<400x128xf32>
    %get3A_23 = arith.constant 0 : index
    %get3A_24 = arith.constant 0 : index
    %get3A_25 = vector.load %arg2[%get3A_23, %get3A_24] : memref<400x128xf32, #tpu.memory_space<vmem>>, vector<400x128xf32>
    %add3A_26 = arith.addf %add3A_22, %get3A_25 : vector<400x128xf32>
    %mul3A = vector.broadcast %rsqrt3A : vector<400x1xf32> to vector<400x128xf32>
    %mul3A_27 = arith.mulf %add3A_26, %mul3A : vector<400x128xf32>
    %get3A_28 = arith.constant 0 : index
    %get3A_29 = arith.constant 0 : index
    %get3A_30 = vector.load %arg4[%get3A_28, %get3A_29] : memref<1x128xf32, #tpu.memory_space<vmem>>, vector<1x128xf32>
    %add3A_31 = vector.broadcast %get3A_30 : vector<1x128xf32> to vector<400x128xf32>
    %add3A_32 = arith.addf %mul3A_27, %add3A_31 : vector<400x128xf32>
    %max3A = arith.constant 0.000000e+00 : f32
    %max3A_33 = vector.broadcast %max3A : f32 to vector<400x128xf32>
    %max3A_34 = arith.maximumf %add3A_32, %max3A_33 : vector<400x128xf32>
    %get3A_35 = arith.constant 0 : index
    %get3A_36 = arith.constant 0 : index
    %get3A_37 = vector.load %arg5[%get3A_35, %get3A_36] : memref<128x128xf32, #tpu.memory_space<vmem>>, vector<128x128xf32>
    %dot_general3A = arith.constant dense<0.000000e+00> : vector<400x128xf32>
    %dot_general3A_38 = tpu.matmul %max3A_34, %get3A_37, %dot_general3A {dimension_numbers = #tpu.dot_dimension_numbers<[1], [0], [0], [1], [0, 0, 1, 1], [], []>, transpose_lhs_hint = false} : vector<400x128xf32>, vector<128x128xf32>, vector<400x128xf32> -> vector<400x128xf32>
    %mul3A_39 = vector.broadcast %rsqrt3A : vector<400x1xf32> to vector<400x128xf32>
    %mul3A_40 = arith.mulf %dot_general3A_38, %mul3A_39 : vector<400x128xf32>
    %swap3A = arith.constant 0 : index
    %swap3A_41 = arith.constant 0 : index
    %swap3A_42 = vector.load %arg6[%swap3A, %swap3A_41] : memref<400x128xf32, #tpu.memory_space<vmem>>, vector<400x128xf32>
    tpu.vector_store %arg6[%swap3A, %swap3A_41], %mul3A_40 {strides = array<i32>} : memref<400x128xf32, #tpu.memory_space<vmem>>, vector<400x128xf32>,
    return
  }
  func.func @transform_0(%arg0: i32) -> (i32, i32, i32) {
    %c0_i32 = arith.constant 0 : i32
    %c0_i32_0 = arith.constant 0 : i32
    %c0_i32_1 = arith.constant 0 : i32
    return %c0_i32, %arg0, %c0_i32_0 : i32, i32, i32
  }
  func.func @transform_1(%arg0: i32) -> (i32, i32) {
    %c0_i32 = arith.constant 0 : i32
    %c0_i32_0 = arith.constant 0 : i32
    return %arg0, %c0_i32 : i32, i32
  }
  func.func @transform_2(%arg0: i32) -> (i32, i32, i32) {
    %c0_i32 = arith.constant 0 : i32
    %c0_i32_0 = arith.constant 0 : i32
    %c0_i32_1 = arith.constant 0 : i32
    return %c0_i32, %arg0, %c0_i32_0 : i32, i32, i32
  }
  func.func @transform_3(%arg0: i32) -> (i32, i32) {
    %c0_i32 = arith.constant 0 : i32
    %c0_i32_0 = arith.constant 0 : i32
    %c0_i32_1 = arith.constant 0 : i32
    return %c0_i32, %c0_i32_0 : i32, i32
  }
  func.func @transform_4(%arg0: i32) -> (i32, i32) {
    %c0_i32 = arith.constant 0 : i32
    %c0_i32_0 = arith.constant 0 : i32
    %c0_i32_1 = arith.constant 0 : i32
    return %c0_i32, %c0_i32_0 : i32, i32
  }
  func.func @transform_5(%arg0: i32) -> (i32, i32) {
    %c0_i32 = arith.constant 0 : i32
    %c0_i32_0 = arith.constant 0 : i32
    return %arg0, %c0_i32 : i32, i32
  }
}

module attributes {stable_mosaic.version = 14 : i64} {
  func.func @_tc_edge_body(%arg0: i32, %arg1: memref<2000x16xf32, #tpu.memory_space<vmem>>, %arg2: memref<16x128xf32, #tpu.memory_space<vmem>>, %arg3: memref<1x128xf32, #tpu.memory_space<vmem>>, %arg4: memref<128x128xf32, #tpu.memory_space<vmem>>, %arg5: memref<1x128xf32, #tpu.memory_space<vmem>>, %arg6: memref<2000x128xf32, #tpu.memory_space<vmem>>) attributes {dimension_semantics = [#tpu.dimension_semantics<arbitrary>], iteration_bounds = array<i64: 160>, scalar_prefetch = 0 : i64, scratch_operands = 0 : i64, tpu.core_type = #tpu.core_type<tc>, window_params = [{transform_indices = @transform_0, window_bounds = array<i64: 2000, 16>}, {pipeline_mode = #tpu.pipeline_mode<synchronous>, transform_indices = @transform_1, window_bounds = array<i64: 16, 128>}, {pipeline_mode = #tpu.pipeline_mode<synchronous>, transform_indices = @transform_2, window_bounds = array<i64: 1, 128>}, {pipeline_mode = #tpu.pipeline_mode<synchronous>, transform_indices = @transform_3, window_bounds = array<i64: 128, 128>}, {pipeline_mode = #tpu.pipeline_mode<synchronous>, transform_indices = @transform_4, window_bounds = array<i64: 1, 128>}, {transform_indices = @transform_5, window_bounds = array<i64: 2000, 128>}]} {
    %get3A = arith.constant 0 : index
    %get3A_0 = arith.constant 0 : index
    %get3A_1 = vector.load %arg1[%get3A, %get3A_0] : memref<2000x16xf32, #tpu.memory_space<vmem>>, vector<2000x16xf32>
    %get3A_2 = arith.constant 0 : index
    %get3A_3 = arith.constant 0 : index
    %get3A_4 = vector.load %arg2[%get3A_2, %get3A_3] : memref<16x128xf32, #tpu.memory_space<vmem>>, vector<16x128xf32>
    %dot_general3A = arith.constant dense<0.000000e+00> : vector<2000x128xf32>
    %dot_general3A_5 = tpu.matmul %get3A_1, %get3A_4, %dot_general3A {dimension_numbers = #tpu.dot_dimension_numbers<[1], [0], [0], [1], [0, 0, 1, 1], [], []>, transpose_lhs_hint = false} : vector<2000x16xf32>, vector<16x128xf32>, vector<2000x128xf32> -> vector<2000x128xf32>
    %get3A_6 = arith.constant 0 : index
    %get3A_7 = arith.constant 0 : index
    %get3A_8 = vector.load %arg3[%get3A_6, %get3A_7] : memref<1x128xf32, #tpu.memory_space<vmem>>, vector<1x128xf32>
    %add3A = vector.broadcast %get3A_8 : vector<1x128xf32> to vector<2000x128xf32>
    %add3A_9 = arith.addf %dot_general3A_5, %add3A : vector<2000x128xf32>
    %max3A = arith.constant 0.000000e+00 : f32
    %max3A_10 = vector.broadcast %max3A : f32 to vector<2000x128xf32>
    %max3A_11 = arith.maximumf %add3A_9, %max3A_10 : vector<2000x128xf32>
    %get3A_12 = arith.constant 0 : index
    %get3A_13 = arith.constant 0 : index
    %get3A_14 = vector.load %arg4[%get3A_12, %get3A_13] : memref<128x128xf32, #tpu.memory_space<vmem>>, vector<128x128xf32>
    %dot_general3A_15 = arith.constant dense<0.000000e+00> : vector<2000x128xf32>
    %dot_general3A_16 = tpu.matmul %max3A_11, %get3A_14, %dot_general3A_15 {dimension_numbers = #tpu.dot_dimension_numbers<[1], [0], [0], [1], [0, 0, 1, 1], [], []>, transpose_lhs_hint = false} : vector<2000x128xf32>, vector<128x128xf32>, vector<2000x128xf32> -> vector<2000x128xf32>
    %get3A_17 = arith.constant 0 : index
    %get3A_18 = arith.constant 0 : index
    %get3A_19 = vector.load %arg5[%get3A_17, %get3A_18] : memref<1x128xf32, #tpu.memory_space<vmem>>, vector<1x128xf32>
    %add3A_20 = vector.broadcast %get3A_19 : vector<1x128xf32> to vector<2000x128xf32>
    %add3A_21 = arith.addf %dot_general3A_16, %add3A_20 : vector<2000x128xf32>
    %swap3A = arith.constant 0 : index
    %swap3A_22 = arith.constant 0 : index
    %swap3A_23 = vector.load %arg6[%swap3A, %swap3A_22] : memref<2000x128xf32, #tpu.memory_space<vmem>>, vector<2000x128xf32>
    tpu.vector_store %arg6[%swap3A, %swap3A_22], %add3A_21 {strides = array<i32>} : memref<2000x128xf32, #tpu.memory_space<vmem>>, vector<2000x128xf32>,
    return
  }
  func.func @transform_0(%arg0: i32) -> (i32, i32) {
    %c0_i32 = arith.constant 0 : i32
    %c0_i32_0 = arith.constant 0 : i32
    return %arg0, %c0_i32 : i32, i32
  }
  func.func @transform_1(%arg0: i32) -> (i32, i32) {
    %c0_i32 = arith.constant 0 : i32
    %c0_i32_0 = arith.constant 0 : i32
    %c0_i32_1 = arith.constant 0 : i32
    return %c0_i32, %c0_i32_0 : i32, i32
  }
  func.func @transform_2(%arg0: i32) -> (i32, i32) {
    %c0_i32 = arith.constant 0 : i32
    %c0_i32_0 = arith.constant 0 : i32
    %c0_i32_1 = arith.constant 0 : i32
    return %c0_i32, %c0_i32_0 : i32, i32
  }
  func.func @transform_3(%arg0: i32) -> (i32, i32) {
    %c0_i32 = arith.constant 0 : i32
    %c0_i32_0 = arith.constant 0 : i32
    %c0_i32_1 = arith.constant 0 : i32
    return %c0_i32, %c0_i32_0 : i32, i32
  }
  func.func @transform_4(%arg0: i32) -> (i32, i32) {
    %c0_i32 = arith.constant 0 : i32
    %c0_i32_0 = arith.constant 0 : i32
    %c0_i32_1 = arith.constant 0 : i32
    return %c0_i32, %c0_i32_0 : i32, i32
  }
  func.func @transform_5(%arg0: i32) -> (i32, i32) {
    %c0_i32 = arith.constant 0 : i32
    %c0_i32_0 = arith.constant 0 : i32
    return %arg0, %c0_i32 : i32, i32
  }
}

module attributes {stable_mosaic.version = 14 : i64} {
  func.func @_tc_out_body(%arg0: i32, %arg1: memref<2x400x128xf32, #tpu.memory_space<vmem>>, %arg2: memref<400x128xf32, #tpu.memory_space<vmem>>, %arg3: memref<2x400x128xf32, #tpu.memory_space<vmem>>, %arg4: memref<1x128xf32, #tpu.memory_space<vmem>>, %arg5: memref<400x128xf32, #tpu.memory_space<vmem>>) attributes {dimension_semantics = [#tpu.dimension_semantics<arbitrary>], iteration_bounds = array<i64: 25>, scalar_prefetch = 0 : i64, scratch_operands = 0 : i64, tpu.core_type = #tpu.core_type<tc>, window_params = [{transform_indices = @transform_0, window_bounds = array<i64: 2, 400, 128>}, {transform_indices = @transform_1, window_bounds = array<i64: 400, 128>}, {transform_indices = @transform_2, window_bounds = array<i64: 2, 400, 128>}, {pipeline_mode = #tpu.pipeline_mode<synchronous>, transform_indices = @transform_3, window_bounds = array<i64: 1, 128>}, {transform_indices = @transform_4, window_bounds = array<i64: 400, 128>}]} {
    %get3A = arith.constant 0 : index
    %get3A_0 = arith.constant 0 : index
    %get3A_1 = arith.constant 0 : index
    %get3A_2 = vector.load %arg3[%get3A, %get3A_0, %get3A_1] : memref<2x400x128xf32, #tpu.memory_space<vmem>>, vector<1x400x1xf32>
    %get3A_3 = vector.shape_cast %get3A_2 : vector<1x400x1xf32> to vector<400x1xf32>
    %get3A_4 = arith.constant 1 : index
    %get3A_5 = arith.constant 0 : index
    %get3A_6 = arith.constant 0 : index
    %get3A_7 = vector.load %arg3[%get3A_4, %get3A_5, %get3A_6] : memref<2x400x128xf32, #tpu.memory_space<vmem>>, vector<1x400x1xf32>
    %get3A_8 = vector.shape_cast %get3A_7 : vector<1x400x1xf32> to vector<400x1xf32>
    %add3A = arith.addf %get3A_3, %get3A_8 : vector<400x1xf32>
    %add3A_9 = arith.constant 1.000000e+00 : f32
    %add3A_10 = vector.broadcast %add3A_9 : f32 to vector<400x1xf32>
    %add3A_11 = arith.addf %add3A, %add3A_10 : vector<400x1xf32>
    %rsqrt3A = math.rsqrt %add3A_11 : vector<400x1xf32>
    %get3A_12 = arith.constant 0 : index
    %get3A_13 = arith.constant 0 : index
    %get3A_14 = arith.constant 0 : index
    %get3A_15 = vector.load %arg1[%get3A_12, %get3A_13, %get3A_14] : memref<2x400x128xf32, #tpu.memory_space<vmem>>, vector<1x400x128xf32>
    %get3A_16 = vector.shape_cast %get3A_15 : vector<1x400x128xf32> to vector<400x128xf32>
    %get3A_17 = arith.constant 1 : index
    %get3A_18 = arith.constant 0 : index
    %get3A_19 = arith.constant 0 : index
    %get3A_20 = vector.load %arg1[%get3A_17, %get3A_18, %get3A_19] : memref<2x400x128xf32, #tpu.memory_space<vmem>>, vector<1x400x128xf32>
    %get3A_21 = vector.shape_cast %get3A_20 : vector<1x400x128xf32> to vector<400x128xf32>
    %add3A_22 = arith.addf %get3A_16, %get3A_21 : vector<400x128xf32>
    %get3A_23 = arith.constant 0 : index
    %get3A_24 = arith.constant 0 : index
    %get3A_25 = vector.load %arg2[%get3A_23, %get3A_24] : memref<400x128xf32, #tpu.memory_space<vmem>>, vector<400x128xf32>
    %add3A_26 = arith.addf %add3A_22, %get3A_25 : vector<400x128xf32>
    %mul3A = vector.broadcast %rsqrt3A : vector<400x1xf32> to vector<400x128xf32>
    %mul3A_27 = arith.mulf %add3A_26, %mul3A : vector<400x128xf32>
    %get3A_28 = arith.constant 0 : index
    %get3A_29 = arith.constant 0 : index
    %get3A_30 = vector.load %arg4[%get3A_28, %get3A_29] : memref<1x128xf32, #tpu.memory_space<vmem>>, vector<1x128xf32>
    %add3A_31 = vector.broadcast %get3A_30 : vector<1x128xf32> to vector<400x128xf32>
    %add3A_32 = arith.addf %mul3A_27, %add3A_31 : vector<400x128xf32>
    %swap3A = arith.constant 0 : index
    %swap3A_33 = arith.constant 0 : index
    %swap3A_34 = vector.load %arg5[%swap3A, %swap3A_33] : memref<400x128xf32, #tpu.memory_space<vmem>>, vector<400x128xf32>
    tpu.vector_store %arg5[%swap3A, %swap3A_33], %add3A_32 {strides = array<i32>} : memref<400x128xf32, #tpu.memory_space<vmem>>, vector<400x128xf32>,
    return
  }
  func.func @transform_0(%arg0: i32) -> (i32, i32, i32) {
    %c0_i32 = arith.constant 0 : i32
    %c0_i32_0 = arith.constant 0 : i32
    %c0_i32_1 = arith.constant 0 : i32
    return %c0_i32, %arg0, %c0_i32_0 : i32, i32, i32
  }
  func.func @transform_1(%arg0: i32) -> (i32, i32) {
    %c0_i32 = arith.constant 0 : i32
    %c0_i32_0 = arith.constant 0 : i32
    return %arg0, %c0_i32 : i32, i32
  }
  func.func @transform_2(%arg0: i32) -> (i32, i32, i32) {
    %c0_i32 = arith.constant 0 : i32
    %c0_i32_0 = arith.constant 0 : i32
    %c0_i32_1 = arith.constant 0 : i32
    return %c0_i32, %arg0, %c0_i32_0 : i32, i32, i32
  }
  func.func @transform_3(%arg0: i32) -> (i32, i32) {
    %c0_i32 = arith.constant 0 : i32
    %c0_i32_0 = arith.constant 0 : i32
    %c0_i32_1 = arith.constant 0 : i32
    return %c0_i32, %c0_i32_0 : i32, i32
  }
  func.func @transform_4(%arg0: i32) -> (i32, i32) {
    %c0_i32 = arith.constant 0 : i32
    %c0_i32_0 = arith.constant 0 : i32
    return %arg0, %c0_i32 : i32, i32
  }
}

</mosaic_0001>

<sc_bundles>
// kernel: kernel.12.cloned.1.call-start
scs
__scs_entry_jumppad:
0x0: {  	(pc) =	sbr.rel $0x88, $3  }
0x1: {  	(tag) =	ssettag $0x0;
	lr =	simm.s32 $0x1  }
0x2: {  	[smem:$0x3F96] =	sst lr;
	_ =	strace $0xD0000000  }
0x3: {  	_ = 	snop  }
0x4: {  	_ = 	snop  }
0x5: {  	_ = 	snop  }
0x6: {  	_ = 	snop  }
0x7: {  	_ = 	snop  }
__scs_overlays_trampoline_lowered:
0x8: {  	[smem:$0x3FA5] =	sst s0  }
0x9: {  	[smem:$0x3FA6] =	sst s1  }
0xa: {  	[smem:$0x3FA7] =	sst s2  }
0xb: {  	[smem:$0x3FA8] =	sst s3  }
0xc: {  	[smem:$0x3FA9] =	sst s4  }
0xd: {  	[smem:$0x3FAA] =	sst s5  }
0xe: {  	[smem:$0x3FAB] =	sst s6  }
0xf: {  	[smem:$0x3FAC] =	sst s7  }
0x10: {  	[smem:$0x3FAD] =	sst s8  }
0x11: {  	[smem:$0x3FAE] =	sst s9;
	s0 =	simm.s32 @!p0 $0x0  }
0x12: {  	s1 =	sld [smem:$0x3F94];
	s0 =	simm.s32 @p0 $0x1  }
0x13: {  	[smem:$0x3FAF] =	sst s0;
	s0 =	simm.s32 @!p1 $0x0  }
0x14: {  	s2 =	sld [smem:$0x3F93];
	s0 =	simm.s32 @p1 $0x1  }
0x15: {  	[smem:$0x3FB0] =	sst s0;
	s0 =	simm.s32 @!p2 $0x0  }
0x16: {  	s3 =	sld [smem:$0x3FDB];
	s0 =	simm.s32 @p2 $0x1  }
0x17: {  	s4 =	simm.s32 $0x1BF5;
	[smem:$0x3FB2] =	sst s0  }
0x18: {  	s0 =	sld [smem:$0x3F95];
	_ =	swait.ge [sflag:s4], $0x0  }
0x19: {  	s7 =	sld [smem:$0x3F96]  }
0x1a: {  	s8 =	sadd.s32 $0xFFFFE003, lr  }
0x1b: {  	s9 =	sadd.s32 $0xFFFFFEF7, lr;
	s5 =	simm.s32 $0xFFFFFFFF;
	p2 =	slt.u32 s8, $0xFFFFF086  }
0x1c: {  	p1 =	slt.u32 s9, $0xF7A;
	s5 =	simm.s32 @!p2 $0x0  }
0x1d: {  	s5 =	simm.s32 @p1 $0x1;
	p0 =	seq.s32 s7, s2  }
0x1e: {  	s7 =	smul.u32 @!p0 $0xF7A, s2;
	p2 =	seq.s32 @!p0 s5, $0x0  }
0x1f: {  	s9 =	smul.u32 $0xF7A, s1;
	s8 =	simm.s32 @!p0 $0x1BF5;
	p2 =	por !p2, p0  }
0x20: {  	[sflag:s8] =	ssyncset.s32 @!p0 $0xFFFFF086;
	s6 =	sadd.s32 @!p0 s3, s7;
	s7 =	simm.s32 @!p0 $0x108  }
0x21: {  	s3 =	sadd.s32 s3, s9;
	s6 =	sadd.s32 @!p0 $0x88, s6;
	s7 =	simm.s32 @p2 $0x1082  }
0x22: {  	[simem:s7], [sflag:s8] =	dma.local @!p0 [hbm:s6], $0xF7A  }
0x23: {  	s9 =	sor.u32 $0xD0000000, s2;
	s6 =	simm.s32 $0x108;
	_ =	swait.ge @!p0 [sflag:s8], $0x0  }
0x24: {  	s3 =	sadd.s32 $0x88, s3;
	s6 =	simm.s32 @!p1 $0x1082;
	[sflag:s4] =	ssyncset.s32 $0xFFFFF086  }
0x25: {  	[simem:s6], [sflag:s4] =	dma.local [hbm:s3], $0xF7A  }
0x26: {  	[smem:$0x3F96] =	sst s1;
	(tag) =	ssettag s2;
	_ =	strace s9  }
0x27: {  	s1 =	sld [smem:$0x3FA6]  }
0x28: {  	s2 =	sld [smem:$0x3FA7]  }
0x29: {  	s4 =	sld [smem:$0x3FA9]  }
0x2a: {  	p0 =	seq.s32 s5, $0x0;
	s5 =	sld [smem:$0x3FAA]  }
0x2b: {  	s6 =	sld [smem:$0x3FAB]  }
0x2c: {  	s7 =	sld [smem:$0x3FAC]  }
0x2d: {  	s3 =	simm.s32 $0x108;
	s8 =	sld [smem:$0x3FAD]  }
0x2e: {  	s3 =	simm.s32 @!p0 $0x1082;
	s9 =	sld [smem:$0x3FAE]  }
0x2f: {  	lr =	sadd.s32 s0, s3;
	s0 =	sld [smem:$0x3FA5]  }
0x30: {  	s3 =	sld [smem:$0x3FA8]  }
0x31: {  	[smem:$0x3FB1] =	sst s10  }
0x32: {  	s10 =	sld [smem:$0x3FAF];
	_ =	sdelay $0x3  }
0x33: {  	p0 =	seq.s32 s10, $0x1;
	s10 =	sld [smem:$0x3FB1];
	_ =	sdelay $0x3  }
0x34: {  	[smem:$0x3FB1] =	sst s10  }
0x35: {  	s10 =	sld [smem:$0x3FB0];
	_ =	sdelay $0x3  }
0x36: {  	p1 =	seq.s32 s10, $0x1;
	s10 =	sld [smem:$0x3FB1];
	_ =	sdelay $0x3  }
0x37: {  	[smem:$0x3FB1] =	sst s10  }
0x38: {  	s10 =	sld [smem:$0x3FB2]  }
0x39: {  	_ = 	snop;
	(pc) =	sbr.ind lr, $3  }
0x3a: {  	_ = 	snop  }
0x3b: {  	_ = 	snop  }
0x3c: {  	p2 =	seq.s32 s10, $0x1;
	s10 =	sld [smem:$0x3FB1]  }
0x3d: {  	_ =	shalt  }
0x3e: {  	_ =	shalt  }
0x3f: {  	_ =	shalt  }
0x40: {  	_ =	shalt  }
0x41: {  	_ =	shalt  }
0x42: {  	_ =	shalt  }
0x43: {  	_ =	shalt  }
0x44: {  	_ =	shalt  }
0x45: {  	_ =	shalt  }
0x46: {  	_ =	shalt  }
0x47: {  	_ =	shalt  }
0x48: {  	_ =	shalt  }
0x49: {  	_ =	shalt  }
0x4a: {  	_ =	shalt  }
0x4b: {  	_ =	shalt  }
0x4c: {  	_ =	shalt  }
0x4d: {  	_ =	shalt  }
0x4e: {  	_ =	shalt  }
0x4f: {  	_ =	shalt  }
0x50: {  	_ =	shalt  }
0x51: {  	_ =	shalt  }
0x52: {  	_ =	shalt  }
0x53: {  	_ =	shalt  }
0x54: {  	_ =	shalt  }
0x55: {  	_ =	shalt  }
0x56: {  	_ =	shalt  }
0x57: {  	_ =	shalt  }
0x58: {  	_ =	shalt  }
0x59: {  	_ =	shalt  }
0x5a: {  	_ =	shalt  }
0x5b: {  	_ =	shalt  }
0x5c: {  	_ =	shalt  }
0x5d: {  	_ =	shalt  }
0x5e: {  	_ =	shalt  }
0x5f: {  	_ =	shalt  }
0x60: {  	_ =	shalt  }
0x61: {  	_ =	shalt  }
0x62: {  	_ =	shalt  }
0x63: {  	_ =	shalt  }
0x64: {  	_ =	shalt  }
0x65: {  	_ =	shalt  }
0x66: {  	_ =	shalt  }
0x67: {  	_ =	shalt  }
0x68: {  	_ =	shalt  }
0x69: {  	_ =	shalt  }
0x6a: {  	_ =	shalt  }
0x6b: {  	_ =	shalt  }
0x6c: {  	_ =	shalt  }
0x6d: {  	_ =	shalt  }
0x6e: {  	_ =	shalt  }
0x6f: {  	_ =	shalt  }
0x70: {  	_ =	shalt  }
0x71: {  	_ =	shalt  }
0x72: {  	_ =	shalt  }
0x73: {  	_ =	shalt  }
0x74: {  	_ =	shalt  }
0x75: {  	_ =	shalt  }
0x76: {  	_ =	shalt  }
0x77: {  	_ =	shalt  }
0x78: {  	_ =	shalt  }
0x79: {  	_ =	shalt  }
0x7a: {  	_ =	shalt  }
0x7b: {  	_ =	shalt  }
0x7c: {  	_ =	shalt  }
0x7d: {  	_ =	shalt  }
0x7e: {  	_ =	shalt  }
0x7f: {  	_ =	shalt  }
0x80: {  	_ =	shalt  }
0x81: {  	_ =	shalt  }
0x82: {  	_ =	shalt  }
0x83: {  	_ =	shalt  }
0x84: {  	_ =	shalt  }
0x85: {  	_ =	shalt  }
0x86: {  	_ =	shalt  }
0x87: {  	_ =	shalt  }
.Lfunc_end0:
.L_simem_size_0:
called_computation.1_lowered:
.L_overlay_start_0:
0x88: {  	s2 =	sld [smem:$0x3FD9]  }
0x89: {  	s3 =	sld [smem:$0x3FFE];
	_ =	sdelay $0x1  }
0x8a: {  	s1 =	srdreg.scid  }
0x8b: {  	s0 =	sand.u32 $0x1, s1  }
0x8c: {  	s14 =	sshll.u32 s0, $0xA;
	s2 =	sadd.s32 s3, s2  }
0x8d: {  	s2 =	sadd.s32 s2, s14  }
0x8e: {  	[smem:$0x3FBD] =	sst s2  }
0x8f: {  	_ = 	snop  }
0x90: {  	s2 =	sld [smem:$0x3FD0];
	_ =	sdelay $0x2  }
0x91: {  	s15 =	simm.s32 $0xA;
	s4 =	simm.s32 $0x10  }
0x92: {  	[smem:s4], [sflag:s15] =	dma.local [hbm:s2], $0x1  }
0x93: {  	_ =	swait.eq [sflag:s15], $0x1  }
0x94: {  	[sflag:s15] =	ssyncset.done $0x0  }
0x95: {  	s16 =	sld [smem:$0x10];
	[sflag:s15] =	ssyncadd.s32 $0xFFFFFFFF  }
0x96: {  	s17 =	sld [smem:$0x11];
	(tm) =	ssettm $0x1  }
0x97: {  	s18 =	sld [smem:$0x3FFB];
	_ =	sdelay $0x3  }
0x98: {  	_ =	strace s18  }
0x99: {  	s4 =	sld [smem:$0x3FFC];
	_ =	sdelay $0x3  }
0x9a: {  	_ =	strace s4  }
0x9b: {  	s4 =	sld [smem:$0x3FFD];
	_ =	sdelay $0x3  }
0x9c: {  	_ =	strace s4  }
0x9d: {  	_ =	strace $0x8FFFFFFF  }
0x9e: {  	s19 =	sld [smem:$0x3FDB];
	_ =	sdelay $0x1  }
0x9f: {  	s5 =	simm.s32 $_scs_section_size  }
0xa0: {  	s6 =	simm.s32 $_size__tile_overlayer_lowered;
	s7 =	simm.s32 $_tile_overlayer_lowered  }
0xa1: {  	s22 =	simm.s32 $0x1BFF;
	s21 =	sshll.u32 s7, $0x1;
	s4 =	sadd.s32 s5, s19  }
0xa2: {  	s8 =	simm.s32 $0x0;
	s20 =	sshll.u32 s6, $0x1;
	s6 =	sadd.s32 s21, s4  }
0xa3: {  	[timem:s8], [sflag:s22] =	dma.local [hbm:s6], s20  }
0xa4: {  	_ =	swait.ge [sflag:s22], s20  }
0xa5: {  	s5 =	ssub.s32 $0x0, s20;
	[sflag:s22] =	ssyncset.done $0x0  }
0xa6: {  	[sflag:s22] =	ssyncadd.s32 s5;
	_ =	sdelay $0x1  }
0xa7: {  	s23 =	simm.s32 $0x1B8B  }
0xa8: {  	_ =	swait.ge [sflag:s23], $0x1  }
0xa9: {  	[sflag:s23] =	ssyncset.done $0x0  }
0xaa: {  	s25 =	simm.s32 $0x1B8E;
	s24 =	sld [smem:$0x3FFE];
	[sflag:s23] =	ssyncadd.s32 $0xFFFFFFFF  }
0xab: {  	s26 =	simm.s32 $execute0_lowered;
	[smem:$0x3FD2] =	sst s25  }
0xac: {  	s6 =	sshll.u32 s26, $0x1;
	_ =	strace $0x80000049;
	[dreg:$0x1] =	wrdreg $0xFFFFFFFF  }
0xad: {  	s28 =	simm.s32 $_size_execute0_lowered;
	s4 =	sadd.s32 s4, s6;
	[dreg:$0x0] =	wrdreg $0x0  }
0xae: {  	s6 =	sshll.u32 s28, $0x1;
	[dreg:$0x2] =	wrdreg s4  }
0xaf: {  	[dreg:$0x3] =	wrdreg s6  }
0xb0: {  	[dreg:$0x4] =	wrdreg $0xC0  }
0xb1: {  	_ =	task [dreg:s8], $0x5FFFF  }
0xb2: {  	[dreg:$0x1] =	wrdreg $0xFFFFFFFF  }
0xb3: {  	[dreg:$0x0] =	wrdreg $0x60  }
0xb4: {  	[dreg:$0x2] =	wrdreg s16  }
0xb5: {  	[dreg:$0x3] =	wrdreg s24  }
0xb6: {  	[dreg:$0x4] =	wrdreg s17  }
0xb7: {  	[dreg:$0x5] =	wrdreg $0x90000  }
0xb8: {  	[dreg:$0x6] =	wrdreg $0x9  }
0xb9: {  	_ =	task.clear_ibuf [dreg:s8], $0x7FFFF;
	_ =	strace $0x90000049  }
0xba: {  	s29 =	simm.s32 $0x9;
	_ =	strace $0x8000004B  }
0xbb: {  	_ =	swait.ge [sflag:s29], $0x1  }
0xbc: {  	[sflag:s29] =	ssyncadd.s32 $0xFFFFFFFF  }
0xbd: {  	_ =	strace $0x9000004B  }
0xbe: {  	_ =	sfence  }
0xbf: {  	s30 =	sld [smem:$0x0];
	_ =	sdelay $0x2  }
0xc0: {  	s31 =	sshll.u32 s1, $0xD;
	s1 =	sshrl.u32 s1, $0x2  }
0xc1: {  	s3 =	sand.u32 $0x4000, s31;
	s1 =	sadd.s32 s1, s30  }
0xc2: {  	s0 =	sor.u32 s3, s0;
	s1 =	sshll.u32 s1, $0x11  }
0xc3: {  	s0 =	sor.u32 s1, s0  }
0xc4: {  	s0 =	sadd.s32 $0x8F2B, s0  }
0xc5: {  	[sflag:s0] =	ssyncadd.remote.s32 $0x1  }
0xc6: {  	_ =	sfence.sel $0xFFFF  }
0xc7: {  	[dreg:$0x0] =	wrdreg $0xFFFFFFFF;
	(pc) =	sbr.abs _section_cstart, $3  }
0xc8: {  	[dreg:$0x1] =	wrdreg $0xFFFFFFFF  }
0xc9: {  	_ =	task.clear_ibuf [dreg:s8], $0x2FFFF;
	_ =	strace $0x9FFFFFFF  }
0xca: {  	(tm) =	ssettm $0x7FFFFFFF  }
0xcb: {  	_ =	shalt  }
tec
execute0_lowered:
.L_overlay_start_1:
0x0: {  	(tag) =	ssettag $0x1  }
0x1: {  	s0 =	rddreg [dreg:$0x0]  }
0x2: {  	s5 =	rddreg [dreg:$0x1]  }
0x3: {  	s1 =	srdreg.scid;
	s13 =	rddreg [dreg:$0x2]  }
0x4: {  	s3 =	rddreg [dreg:$0x3];
	s4 =	simm.s32 $0x0;
	s17 =	simm.s32 $0x5000  }
0x5: {  	s18 =	simm.s32 $0x80;
	s8 =	sand.u32 $0x1, s1;
	s1 =	stileid.u32  }
0x6: {  	s19 =	simm.s32 $0x1;
	s20 =	simm.s32 $0x0;
	s10 =	smul.u32 $0x28000, s1  }
0x7: {  	[smem:$0x7FF] =	sst s4;
	s2 =	sshll.u32 s8, $0x4;
	s11 =	smul.u32 $0xA000, s1  }
0x8: {  	s30 =	ssub.s32 $0x2, s8;
	s12 =	smul.u32 $0x140000, s8;
	s6 =	sor.u32 s1, s2  }
0x9: {  	s2 =	rddreg [dreg:$0x4];
	_ =	strace $0x8000004A;
	s9 =	sshrl.u32 s30, $0x1  }
0xa: {  	s6 =	smul.u32 $0x500, s6;
	s14 =	ssub.s32 s30, s9;
	s31 =	sshrl.u32 s10, $0x2  }
0xb: {  	s15 =	sadd.s32 $0x4000, s11;
	s16 =	sadd.s32 $0x8000, s11;
	s11 =	sadd.s32 s11, s12  }
0xc: {  	s8 =	sadd.s32 s31, s3;
	s9 =	sadd.s32 s15, s3;
	s10 =	sadd.s32 s16, s3  }
0xd: {  	s11 =	sshrl.u32 s11, $0x3;
	s15 =	sadd.s32 s12, s15;
	s12 =	sadd.s32 s12, s16  }
0xe: {  	s14 =	smax.u32 s14, $0x1;
	s7 =	sadd.s32 s6, s5;
	s5 =	sadd.s32 $0xE000, s5  }
0xf: {  	s11 =	sadd.s32 s13, s11;
	s15 =	sshrl.u32 s15, $0x3;
	s16 =	sshrl.u32 s12, $0x3  }
0x10: {  	s6 =	sadd.s32 $0xE800, s7;
	s7 =	sadd.s32 $0x4000, s7;
	s12 =	sadd.s32 s13, s15  }
0x11: {  	s13 =	sadd.s32 s13, s16;
	s15 =	simm.s32 $0x2;
	s16 =	simm.s32 $0x2800  }
.LBB2_1:
0x12: {  	[tilespmem:s4], [sflag:$0x2] =	stream.linear.gather [hbm4b:s6+s4], $0x2800, $0x38;
	[tilespmem:$0x1D000] =	vst v63  }
0x13: {  	_ =	swait.ge [sflag:s15], $0x2800  }
0x14: {  	[sflag:s15] =	ssyncset.done $0x0  }
0x15: {  	[sflag:s15] =	ssyncadd.s32 $0xFFFFD800  }
0x16: {  	[tilespmem:s16], [sflag:$0x2] =	stream.linear.gather [hbm4b:s7+s4], $0x2800, $0x38;
	[tilespmem:$0x1D000] =	vst v63  }
0x17: {  	_ =	swait.ge [sflag:s15], $0x2800  }
0x18: {  	[sflag:s15] =	ssyncset.done $0x0  }
0x19: {  	[sflag:s15] =	ssyncadd.s32 $0xFFFFD800  }
0x1a: {  	[tilespmem:s17], [sflag:$0x2] =	stream.linear.gather [hbm4b:s5+s4], $0x4000, $0x38;
	[tilespmem:$0x1D000] =	vst v63  }
0x1b: {  	_ =	swait.ge [sflag:s15], $0x4000  }
0x1c: {  	[sflag:s15] =	ssyncset.done $0x0  }
0x1d: {  	[sflag:s15] =	ssyncadd.s32 $0xFFFFC000  }
0x1e: {  	[spmem:s8] =	stream.linear.scatter [tilespmem:s17], [sflag:$0x2], $0x4000, $0x38;
	[tilespmem:$0x1D000] =	vst v63  }
0x1f: {  	_ =	swait.ge [sflag:s15], $0x4000  }
0x20: {  	[sflag:s15] =	ssyncset.done $0x0  }
0x21: {  	[sflag:s15] =	ssyncadd.s32 $0xFFFFC000  }
0x22: {  	[spmem:s9] =	stream.linear.scatter [tilespmem:s17], [sflag:$0x2], $0x4000, $0x38;
	[tilespmem:$0x1D000] =	vst v63  }
0x23: {  	_ =	swait.ge [sflag:s15], $0x4000  }
0x24: {  	[sflag:s15] =	ssyncset.done $0x0  }
0x25: {  	[sflag:s15] =	ssyncadd.s32 $0xFFFFC000  }
0x26: {  	[spmem:s10] =	stream.linear.scatter [tilespmem:s17], [sflag:$0x2], $0x2000, $0x38;
	[tilespmem:$0x1D000] =	vst v63  }
0x27: {  	_ =	swait.ge [sflag:s15], $0x2000  }
0x28: {  	[sflag:s15] =	ssyncset.done $0x0  }
0x29: {  	[sflag:s15] =	ssyncadd.s32 $0xFFFFE000  }
0x2a: {  	s21 =	simm.s32 $0x0;
	[bflag:$0x0] =	sbarrier.arrive $0xFFFF  }
0x2b: {  	[tilespmem:s17], [sflag:$0x1] =	stream.indirect.gather [hbm4b:s0+s18], $0x80, s21, s18, $0xb8;
	[tilespmem:$0x1D000] =	vst v63  }
0x2c: {  	_ =	swait.ge [sflag:s19], $0x4000  }
0x2d: {  	[sflag:s19] =	ssyncset.done $0x0  }
0x2e: {  	s31 =	simm.s32 $0x2800;
	[sflag:s19] =	ssyncadd.s32 $0xFFFFC000  }
0x2f: {  	[spmem:s3] =	stream.indirect.scatter.add.f32 [tilespmem:s17], [sflag:$0x2], $0x80, s31, s18, $0xb8;
	[tilespmem:$0x1D000] =	vst v63  }
0x30: {  	_ =	swait.ge [sflag:s15], $0x4000  }
0x31: {  	s22 =	simm.s32 $0x400;
	s21 =	simm.s32 $0x200;
	[sflag:s15] =	ssyncset.done $0x0  }
.LBB2_2:
0x32: {  	s23 =	sshra.s32 s21, $0x2  }
0x33: {  	[sflag:s15] =	ssyncadd.s32 $0xFFFFC000;
	s21 =	smov.u32 s22;
	s24 =	sadd.s32 $0x200, s22  }
0x34: {  	[tilespmem:s17], [sflag:$0x1] =	stream.indirect.gather [hbm4b:s0+s18], $0x80, s23, s18, $0xb8;
	[tilespmem:$0x1D000] =	vst v63  }
0x35: {  	p0 =	sne.s32 s22, $0x9E00;
	_ =	swait.ge [sflag:s19], $0x4000  }
.Ltmp0:
0x36: {  	[sflag:s19] =	ssyncset.done $0x0;
	(pc) =	sbr.rel @p0 .LBB2_2-.Ltmp0, $4  }
0x37: {  	s22 =	sadd.s32 $0x2800, s23;
	[sflag:s19] =	ssyncadd.s32 $0xFFFFC000  }
0x38: {  	[spmem:s3] =	stream.indirect.scatter.add.f32 [tilespmem:s17], [sflag:$0x2], $0x80, s22, s18, $0xb8;
	[tilespmem:$0x1D000] =	vst v63  }
0x39: {  	_ =	swait.ge [sflag:s15], $0x4000  }
0x3a: {  	s22 =	smov.u32 s24;
	[sflag:s15] =	ssyncset.done $0x0  }
0x3b: {  	s21 =	sshra.s32 s21, $0x2;
	[sflag:s15] =	ssyncadd.s32 $0xFFFFC000  }
0x3c: {  	[tilespmem:s17], [sflag:$0x1] =	stream.indirect.gather [hbm4b:s0+s18], $0x80, s21, s18, $0xb8;
	[tilespmem:$0x1D000] =	vst v63  }
0x3d: {  	_ =	swait.ge [sflag:s19], $0x4000  }
0x3e: {  	[sflag:s19] =	ssyncset.done $0x0  }
0x3f: {  	s21 =	sadd.s32 $0x2800, s21;
	[sflag:s19] =	ssyncadd.s32 $0xFFFFC000  }
0x40: {  	[spmem:s3] =	stream.indirect.scatter.add.f32 [tilespmem:s17], [sflag:$0x2], $0x80, s21, s18, $0xb8;
	[tilespmem:$0x1D000] =	vst v63  }
0x41: {  	_ =	swait.ge [sflag:s15], $0x4000  }
0x42: {  	[sflag:s15] =	ssyncset.done $0x0  }
0x43: {  	[sflag:s15] =	ssyncadd.s32 $0xFFFFC000  }
0x44: {  	[bflag:$0x0] =	sbarrier.arrive $0xFFFF  }
0x45: {  	[tilespmem:s17], [sflag:$0x2] =	stream.linear.gather [spmem:s8], $0x4000, $0x38;
	[tilespmem:$0x1D000] =	vst v63  }
0x46: {  	_ =	swait.ge [sflag:s15], $0x4000  }
0x47: {  	[sflag:s15] =	ssyncset.done $0x0  }
0x48: {  	[sflag:s15] =	ssyncadd.s32 $0xFFFFC000  }
0x49: {  	[hbm4b:s11+s4] =	stream.linear.scatter [tilespmem:s17], [sflag:$0x2], $0x4000, $0x38;
	[tilespmem:$0x1D000] =	vst v63  }
0x4a: {  	_ =	swait.ge [sflag:s15], $0x4000  }
0x4b: {  	[sflag:s15] =	ssyncset.done $0x0  }
0x4c: {  	[sflag:s15] =	ssyncadd.s32 $0xFFFFC000  }
0x4d: {  	[tilespmem:s17], [sflag:$0x2] =	stream.linear.gather [spmem:s9], $0x4000, $0x38;
	[tilespmem:$0x1D000] =	vst v63  }
0x4e: {  	_ =	swait.ge [sflag:s15], $0x4000  }
0x4f: {  	[sflag:s15] =	ssyncset.done $0x0  }
0x50: {  	[sflag:s15] =	ssyncadd.s32 $0xFFFFC000  }
0x51: {  	[hbm4b:s12+s4] =	stream.linear.scatter [tilespmem:s17], [sflag:$0x2], $0x4000, $0x38;
	[tilespmem:$0x1D000] =	vst v63  }
0x52: {  	_ =	swait.ge [sflag:s15], $0x4000  }
0x53: {  	[sflag:s15] =	ssyncset.done $0x0  }
0x54: {  	[sflag:s15] =	ssyncadd.s32 $0xFFFFC000  }
0x55: {  	[tilespmem:s17], [sflag:$0x2] =	stream.linear.gather [spmem:s10], $0x2000, $0x38;
	[tilespmem:$0x1D000] =	vst v63  }
0x56: {  	s20 =	sadd.s32 $0x1, s20;
	_ =	swait.ge [sflag:s15], $0x2000  }
0x57: {  	p0 =	sne.s32 s20, s14;
	[sflag:s15] =	ssyncset.done $0x0  }
.Ltmp1:
0x58: {  	[sflag:s15] =	ssyncadd.s32 $0xFFFFE000;
	(pc) =	sbr.rel @p0 .LBB2_1-.Ltmp1, $4  }
0x59: {  	[hbm4b:s13+s4] =	stream.linear.scatter [tilespmem:s17], [sflag:$0x2], $0x2000, $0x38;
	[tilespmem:$0x1D000] =	vst v63  }
0x5a: {  	_ =	swait.ge [sflag:s15], $0x2000  }
0x5b: {  	[sflag:s15] =	ssyncset.done $0x0  }
0x5c: {  	[sflag:s15] =	ssyncadd.s32 $0xFFFFE000  }
0x5d: {  	_ =	sfence.sel $0x180000  }
0x5e: {  	[bflag:$0x0] =	sbarrier.arrive $0xFFFF  }
0x5f: {  	p0 =	sne.s32 s1, $0x0;
	_ =	strace $0x9000004A  }
0x60: {  	s0 =	sadd.s32 @!p0 $0x100000, s2;
	[bflag:$0x2] =	sbarrier.arrive $0xFFFF  }
0x61: {  	[sflag:s0] =	ssyncadd.tile.s32 @!p0 $0x1;
	_ =	shalt  }
.Lfunc_end2:
_tile_overlayer_lowered:
.L_overlay_start_2:
0x62: {  	(tag) =	ssettag $0x2  }
0x63: {  	s0 =	rddreg [dreg:$0x0];
	s2 =	stileid.u32  }
0x64: {  	s1 =	rddreg [dreg:$0x1];
	p0 =	sne.s32 s2, $0x0  }
0x65: {  	s3 =	rddreg [dreg:$0x2];
	[bflag:$0x3] =	sbarrier.arrive $0xFFFF;
	s2 =	simm.s32 @!p0 $0x1C02  }
0x66: {  	[timem:s3], [sflag:s2] =	dma.local @!p0 [hbm:s0], s1  }
0x67: {  	s0 =	simm.s32 @!p0 $0x2  }
0x68: {  	_ =	swait.ge @!p0 [sflag:s0], s1  }
0x69: {  	s1 =	ssub.s32 @!p0 $0x0, s1;
	[sflag:s0] =	ssyncset.done @!p0 $0x0  }
0x6a: {  	[sflag:s0] =	ssyncadd.s32 @!p0 s1  }
0x6b: {  	[bflag:$0x3] =	sbarrier.arrive $0xFFFF  }
0x6c: {  	_ =	shalt  }

// kernel: kernel.15.cloned.1.call-start
scs
__scs_entry_jumppad:
0x0: {  	(pc) =	sbr.rel $0x88, $3  }
0x1: {  	(tag) =	ssettag $0x0;
	lr =	simm.s32 $0x1  }
0x2: {  	[smem:$0x3F96] =	sst lr;
	_ =	strace $0xD0000000  }
0x3: {  	_ = 	snop  }
0x4: {  	_ = 	snop  }
0x5: {  	_ = 	snop  }
0x6: {  	_ = 	snop  }
0x7: {  	_ = 	snop  }
__scs_overlays_trampoline_lowered:
0x8: {  	[smem:$0x3FA5] =	sst s0  }
0x9: {  	[smem:$0x3FA6] =	sst s1  }
0xa: {  	[smem:$0x3FA7] =	sst s2  }
0xb: {  	[smem:$0x3FA8] =	sst s3  }
0xc: {  	[smem:$0x3FA9] =	sst s4  }
0xd: {  	[smem:$0x3FAA] =	sst s5  }
0xe: {  	[smem:$0x3FAB] =	sst s6  }
0xf: {  	[smem:$0x3FAC] =	sst s7  }
0x10: {  	[smem:$0x3FAD] =	sst s8  }
0x11: {  	[smem:$0x3FAE] =	sst s9;
	s0 =	simm.s32 @!p0 $0x0  }
0x12: {  	s1 =	sld [smem:$0x3F94];
	s0 =	simm.s32 @p0 $0x1  }
0x13: {  	[smem:$0x3FAF] =	sst s0;
	s0 =	simm.s32 @!p1 $0x0  }
0x14: {  	s2 =	sld [smem:$0x3F93];
	s0 =	simm.s32 @p1 $0x1  }
0x15: {  	[smem:$0x3FB0] =	sst s0;
	s0 =	simm.s32 @!p2 $0x0  }
0x16: {  	s3 =	sld [smem:$0x3FDB];
	s0 =	simm.s32 @p2 $0x1  }
0x17: {  	s4 =	simm.s32 $0x1BF5;
	[smem:$0x3FB2] =	sst s0  }
0x18: {  	s0 =	sld [smem:$0x3F95];
	_ =	swait.ge [sflag:s4], $0x0  }
0x19: {  	s7 =	sld [smem:$0x3F96]  }
0x1a: {  	s8 =	sadd.s32 $0xFFFFE003, lr  }
0x1b: {  	s9 =	sadd.s32 $0xFFFFFEF7, lr;
	s5 =	simm.s32 $0xFFFFFFFF;
	p2 =	slt.u32 s8, $0xFFFFF086  }
0x1c: {  	p1 =	slt.u32 s9, $0xF7A;
	s5 =	simm.s32 @!p2 $0x0  }
0x1d: {  	s5 =	simm.s32 @p1 $0x1;
	p0 =	seq.s32 s7, s2  }
0x1e: {  	s7 =	smul.u32 @!p0 $0xF7A, s2;
	p2 =	seq.s32 @!p0 s5, $0x0  }
0x1f: {  	s9 =	smul.u32 $0xF7A, s1;
	s8 =	simm.s32 @!p0 $0x1BF5;
	p2 =	por !p2, p0  }
0x20: {  	[sflag:s8] =	ssyncset.s32 @!p0 $0xFFFFF086;
	s6 =	sadd.s32 @!p0 s3, s7;
	s7 =	simm.s32 @!p0 $0x108  }
0x21: {  	s3 =	sadd.s32 s3, s9;
	s6 =	sadd.s32 @!p0 $0x88, s6;
	s7 =	simm.s32 @p2 $0x1082  }
0x22: {  	[simem:s7], [sflag:s8] =	dma.local @!p0 [hbm:s6], $0xF7A  }
0x23: {  	s9 =	sor.u32 $0xD0000000, s2;
	s6 =	simm.s32 $0x108;
	_ =	swait.ge @!p0 [sflag:s8], $0x0  }
0x24: {  	s3 =	sadd.s32 $0x88, s3;
	s6 =	simm.s32 @!p1 $0x1082;
	[sflag:s4] =	ssyncset.s32 $0xFFFFF086  }
0x25: {  	[simem:s6], [sflag:s4] =	dma.local [hbm:s3], $0xF7A  }
0x26: {  	[smem:$0x3F96] =	sst s1;
	(tag) =	ssettag s2;
	_ =	strace s9  }
0x27: {  	s1 =	sld [smem:$0x3FA6]  }
0x28: {  	s2 =	sld [smem:$0x3FA7]  }
0x29: {  	s4 =	sld [smem:$0x3FA9]  }
0x2a: {  	p0 =	seq.s32 s5, $0x0;
	s5 =	sld [smem:$0x3FAA]  }
0x2b: {  	s6 =	sld [smem:$0x3FAB]  }
0x2c: {  	s7 =	sld [smem:$0x3FAC]  }
0x2d: {  	s3 =	simm.s32 $0x108;
	s8 =	sld [smem:$0x3FAD]  }
0x2e: {  	s3 =	simm.s32 @!p0 $0x1082;
	s9 =	sld [smem:$0x3FAE]  }
0x2f: {  	lr =	sadd.s32 s0, s3;
	s0 =	sld [smem:$0x3FA5]  }
0x30: {  	s3 =	sld [smem:$0x3FA8]  }
0x31: {  	[smem:$0x3FB1] =	sst s10  }
0x32: {  	s10 =	sld [smem:$0x3FAF];
	_ =	sdelay $0x3  }
0x33: {  	p0 =	seq.s32 s10, $0x1;
	s10 =	sld [smem:$0x3FB1];
	_ =	sdelay $0x3  }
0x34: {  	[smem:$0x3FB1] =	sst s10  }
0x35: {  	s10 =	sld [smem:$0x3FB0];
	_ =	sdelay $0x3  }
0x36: {  	p1 =	seq.s32 s10, $0x1;
	s10 =	sld [smem:$0x3FB1];
	_ =	sdelay $0x3  }
0x37: {  	[smem:$0x3FB1] =	sst s10  }
0x38: {  	s10 =	sld [smem:$0x3FB2]  }
0x39: {  	_ = 	snop;
	(pc) =	sbr.ind lr, $3  }
0x3a: {  	_ = 	snop  }
0x3b: {  	_ = 	snop  }
0x3c: {  	p2 =	seq.s32 s10, $0x1;
	s10 =	sld [smem:$0x3FB1]  }
0x3d: {  	_ =	shalt  }
0x3e: {  	_ =	shalt  }
0x3f: {  	_ =	shalt  }
0x40: {  	_ =	shalt  }
0x41: {  	_ =	shalt  }
0x42: {  	_ =	shalt  }
0x43: {  	_ =	shalt  }
0x44: {  	_ =	shalt  }
0x45: {  	_ =	shalt  }
0x46: {  	_ =	shalt  }
0x47: {  	_ =	shalt  }
0x48: {  	_ =	shalt  }
0x49: {  	_ =	shalt  }
0x4a: {  	_ =	shalt  }
0x4b: {  	_ =	shalt  }
0x4c: {  	_ =	shalt  }
0x4d: {  	_ =	shalt  }
0x4e: {  	_ =	shalt  }
0x4f: {  	_ =	shalt  }
0x50: {  	_ =	shalt  }
0x51: {  	_ =	shalt  }
0x52: {  	_ =	shalt  }
0x53: {  	_ =	shalt  }
0x54: {  	_ =	shalt  }
0x55: {  	_ =	shalt  }
0x56: {  	_ =	shalt  }
0x57: {  	_ =	shalt  }
0x58: {  	_ =	shalt  }
0x59: {  	_ =	shalt  }
0x5a: {  	_ =	shalt  }
0x5b: {  	_ =	shalt  }
0x5c: {  	_ =	shalt  }
0x5d: {  	_ =	shalt  }
0x5e: {  	_ =	shalt  }
0x5f: {  	_ =	shalt  }
0x60: {  	_ =	shalt  }
0x61: {  	_ =	shalt  }
0x62: {  	_ =	shalt  }
0x63: {  	_ =	shalt  }
0x64: {  	_ =	shalt  }
0x65: {  	_ =	shalt  }
0x66: {  	_ =	shalt  }
0x67: {  	_ =	shalt  }
0x68: {  	_ =	shalt  }
0x69: {  	_ =	shalt  }
0x6a: {  	_ =	shalt  }
0x6b: {  	_ =	shalt  }
0x6c: {  	_ =	shalt  }
0x6d: {  	_ =	shalt  }
0x6e: {  	_ =	shalt  }
0x6f: {  	_ =	shalt  }
0x70: {  	_ =	shalt  }
0x71: {  	_ =	shalt  }
0x72: {  	_ =	shalt  }
0x73: {  	_ =	shalt  }
0x74: {  	_ =	shalt  }
0x75: {  	_ =	shalt  }
0x76: {  	_ =	shalt  }
0x77: {  	_ =	shalt  }
0x78: {  	_ =	shalt  }
0x79: {  	_ =	shalt  }
0x7a: {  	_ =	shalt  }
0x7b: {  	_ =	shalt  }
0x7c: {  	_ =	shalt  }
0x7d: {  	_ =	shalt  }
0x7e: {  	_ =	shalt  }
0x7f: {  	_ =	shalt  }
0x80: {  	_ =	shalt  }
0x81: {  	_ =	shalt  }
0x82: {  	_ =	shalt  }
0x83: {  	_ =	shalt  }
0x84: {  	_ =	shalt  }
0x85: {  	_ =	shalt  }
0x86: {  	_ =	shalt  }
0x87: {  	_ =	shalt  }
.Lfunc_end0:
.L_simem_size_0:
called_computation.2_lowered:
.L_overlay_start_0:
0x88: {  	s2 =	sld [smem:$0x3FD9]  }
0x89: {  	s3 =	sld [smem:$0x3FFE];
	_ =	sdelay $0x1  }
0x8a: {  	s1 =	srdreg.scid  }
0x8b: {  	s0 =	sand.u32 $0x1, s1  }
0x8c: {  	s14 =	sshll.u32 s0, $0xA;
	s2 =	sadd.s32 s3, s2  }
0x8d: {  	s2 =	sadd.s32 s2, s14  }
0x8e: {  	[smem:$0x3FBD] =	sst s2  }
0x8f: {  	_ = 	snop  }
0x90: {  	s2 =	sld [smem:$0x3FD0];
	_ =	sdelay $0x2  }
0x91: {  	s15 =	simm.s32 $0xA;
	s4 =	simm.s32 $0x10  }
0x92: {  	[smem:s4], [sflag:s15] =	dma.local [hbm:s2], $0x1  }
0x93: {  	_ =	swait.eq [sflag:s15], $0x1  }
0x94: {  	[sflag:s15] =	ssyncset.done $0x0  }
0x95: {  	[sflag:s15] =	ssyncadd.s32 $0xFFFFFFFF  }
0x96: {  	s16 =	sld [smem:$0x10];
	(tm) =	ssettm $0x1  }
0x97: {  	s17 =	sld [smem:$0x3FFB];
	_ =	sdelay $0x3  }
0x98: {  	_ =	strace s17  }
0x99: {  	s3 =	sld [smem:$0x3FFC];
	_ =	sdelay $0x3  }
0x9a: {  	_ =	strace s3  }
0x9b: {  	s3 =	sld [smem:$0x3FFD];
	_ =	sdelay $0x3  }
0x9c: {  	_ =	strace s3  }
0x9d: {  	_ =	strace $0x8FFFFFFF  }
0x9e: {  	s18 =	sld [smem:$0x3FDB];
	_ =	sdelay $0x1  }
0x9f: {  	s19 =	simm.s32 $_scs_section_size  }
0xa0: {  	s5 =	simm.s32 $_size__tile_overlayer_lowered;
	s6 =	simm.s32 $_tile_overlayer_lowered  }
0xa1: {  	s22 =	simm.s32 $0x1BFF;
	s21 =	sshll.u32 s6, $0x1;
	s3 =	sadd.s32 s19, s18  }
0xa2: {  	s7 =	simm.s32 $0x0;
	s20 =	sshll.u32 s5, $0x1;
	s5 =	sadd.s32 s21, s3  }
0xa3: {  	[timem:s7], [sflag:s22] =	dma.local [hbm:s5], s20  }
0xa4: {  	_ =	swait.ge [sflag:s22], s20  }
0xa5: {  	s4 =	ssub.s32 $0x0, s20;
	[sflag:s22] =	ssyncset.done $0x0  }
0xa6: {  	[sflag:s22] =	ssyncadd.s32 s4;
	_ =	sdelay $0x1  }
0xa7: {  	s23 =	simm.s32 $0x1B8B  }
0xa8: {  	_ =	swait.ge [sflag:s23], $0x1  }
0xa9: {  	[sflag:s23] =	ssyncset.done $0x0  }
0xaa: {  	s25 =	simm.s32 $0x1B8E;
	s24 =	sld [smem:$0x3FFE];
	[sflag:s23] =	ssyncadd.s32 $0xFFFFFFFF  }
0xab: {  	s26 =	simm.s32 $execute0_lowered;
	[smem:$0x3FD2] =	sst s25  }
0xac: {  	s5 =	sshll.u32 s26, $0x1;
	_ =	strace $0x8000004C;
	[dreg:$0x1] =	wrdreg $0xFFFFFFFF  }
0xad: {  	s28 =	simm.s32 $_size_execute0_lowered;
	s3 =	sadd.s32 s3, s5;
	[dreg:$0x0] =	wrdreg $0x0  }
0xae: {  	s5 =	sshll.u32 s28, $0x1;
	[dreg:$0x2] =	wrdreg s3  }
0xaf: {  	[dreg:$0x3] =	wrdreg s5  }
0xb0: {  	[dreg:$0x4] =	wrdreg $0xC0  }
0xb1: {  	_ =	task [dreg:s7], $0x5FFFF  }
0xb2: {  	[dreg:$0x1] =	wrdreg $0xFFFFFFFF  }
0xb3: {  	[dreg:$0x0] =	wrdreg $0x60  }
0xb4: {  	[dreg:$0x2] =	wrdreg s16  }
0xb5: {  	[dreg:$0x3] =	wrdreg s24  }
0xb6: {  	[dreg:$0x4] =	wrdreg $0x90000  }
0xb7: {  	[dreg:$0x5] =	wrdreg $0x9  }
0xb8: {  	_ =	task.clear_ibuf [dreg:s7], $0x6FFFF;
	_ =	strace $0x9000004C  }
0xb9: {  	s29 =	simm.s32 $0x9;
	_ =	strace $0x8000004E  }
0xba: {  	_ =	swait.ge [sflag:s29], $0x1  }
0xbb: {  	[sflag:s29] =	ssyncadd.s32 $0xFFFFFFFF  }
0xbc: {  	_ =	strace $0x9000004E  }
0xbd: {  	_ =	sfence  }
0xbe: {  	s30 =	sld [smem:$0x0];
	_ =	sdelay $0x2  }
0xbf: {  	s31 =	sshll.u32 s1, $0xD;
	s1 =	sshrl.u32 s1, $0x2  }
0xc0: {  	s3 =	sand.u32 $0x4000, s31;
	s1 =	sadd.s32 s1, s30  }
0xc1: {  	s0 =	sor.u32 s3, s0;
	s1 =	sshll.u32 s1, $0x11  }
0xc2: {  	s0 =	sor.u32 s1, s0  }
0xc3: {  	s0 =	sadd.s32 $0x8F2B, s0  }
0xc4: {  	[sflag:s0] =	ssyncadd.remote.s32 $0x1  }
0xc5: {  	_ =	sfence.sel $0xFFFF  }
0xc6: {  	[dreg:$0x0] =	wrdreg $0xFFFFFFFF;
	(pc) =	sbr.abs _section_cstart, $3  }
0xc7: {  	[dreg:$0x1] =	wrdreg $0xFFFFFFFF  }
0xc8: {  	_ =	task.clear_ibuf [dreg:s7], $0x2FFFF;
	_ =	strace $0x9FFFFFFF  }
0xc9: {  	(tm) =	ssettm $0x7FFFFFFF  }
tec
execute0_lowered:
.L_overlay_start_1:
0x0: {  	(tag) =	ssettag $0x1  }
0x1: {  	s0 =	rddreg [dreg:$0x0]  }
0x2: {  	s6 =	rddreg [dreg:$0x1]  }
0x3: {  	s1 =	srdreg.scid;
	s3 =	rddreg [dreg:$0x2]  }
0x4: {  	s2 =	stileid.u32;
	s4 =	simm.s32 $0x0;
	s17 =	simm.s32 $0x5000  }
0x5: {  	s18 =	simm.s32 $0x80;
	s19 =	simm.s32 $0x1;
	s20 =	simm.s32 $0x0  }
0x6: {  	s8 =	sand.u32 $0x1, s1;
	s1 =	rddreg [dreg:$0x3];
	s10 =	smul.u32 $0x28000, s2  }
0x7: {  	[smem:$0x7FF] =	sst s4;
	s13 =	sadd.s32 $0x66A00, s6;
	s11 =	smul.u32 $0xA000, s2  }
0x8: {  	s5 =	sshll.u32 s8, $0x4;
	_ =	strace $0x8000004D;
	s9 =	ssub.s32 $0x2, s8  }
0x9: {  	s12 =	smul.u32 $0x140000, s8;
	s5 =	sor.u32 s2, s5;
	s30 =	sshrl.u32 s9, $0x1  }
0xa: {  	s31 =	sshrl.u32 s10, $0x2;
	s15 =	sadd.s32 $0x4000, s11;
	s16 =	sadd.s32 $0x8000, s11  }
0xb: {  	s5 =	smul.u32 $0x500, s5;
	s14 =	ssub.s32 s9, s30;
	s8 =	sadd.s32 s31, s3  }
0xc: {  	s9 =	sadd.s32 s15, s3;
	s10 =	sadd.s32 s16, s3;
	s11 =	sadd.s32 s11, s12  }
0xd: {  	s15 =	sadd.s32 s12, s15;
	s12 =	sadd.s32 s12, s16;
	s11 =	sshrl.u32 s11, $0x3  }
0xe: {  	s15 =	sshrl.u32 s15, $0x3;
	s16 =	sshrl.u32 s12, $0x3;
	s14 =	smax.u32 s14, $0x1  }
0xf: {  	s7 =	sadd.s32 s5, s6;
	s5 =	sadd.s32 $0xE000, s6;
	s11 =	sadd.s32 s13, s11  }
0x10: {  	s12 =	sadd.s32 s13, s15;
	s13 =	sadd.s32 s13, s16;
	s15 =	simm.s32 $0x2  }
0x11: {  	s16 =	simm.s32 $0x2800;
	s6 =	sadd.s32 $0xE800, s7;
	s7 =	sadd.s32 $0x4000, s7  }
.LBB2_1:
0x12: {  	[tilespmem:s4], [sflag:$0x2] =	stream.linear.gather [hbm4b:s6+s4], $0x2800, $0x38;
	[tilespmem:$0x1D000] =	vst v63  }
0x13: {  	_ =	swait.ge [sflag:s15], $0x2800  }
0x14: {  	[sflag:s15] =	ssyncset.done $0x0  }
0x15: {  	[sflag:s15] =	ssyncadd.s32 $0xFFFFD800  }
0x16: {  	[tilespmem:s16], [sflag:$0x2] =	stream.linear.gather [hbm4b:s7+s4], $0x2800, $0x38;
	[tilespmem:$0x1D000] =	vst v63  }
0x17: {  	_ =	swait.ge [sflag:s15], $0x2800  }
0x18: {  	[sflag:s15] =	ssyncset.done $0x0  }
0x19: {  	[sflag:s15] =	ssyncadd.s32 $0xFFFFD800  }
0x1a: {  	[tilespmem:s17], [sflag:$0x2] =	stream.linear.gather [hbm4b:s5+s4], $0x4000, $0x38;
	[tilespmem:$0x1D000] =	vst v63  }
0x1b: {  	_ =	swait.ge [sflag:s15], $0x4000  }
0x1c: {  	[sflag:s15] =	ssyncset.done $0x0  }
0x1d: {  	[sflag:s15] =	ssyncadd.s32 $0xFFFFC000  }
0x1e: {  	[spmem:s8] =	stream.linear.scatter [tilespmem:s17], [sflag:$0x2], $0x4000, $0x38;
	[tilespmem:$0x1D000] =	vst v63  }
0x1f: {  	_ =	swait.ge [sflag:s15], $0x4000  }
0x20: {  	[sflag:s15] =	ssyncset.done $0x0  }
0x21: {  	[sflag:s15] =	ssyncadd.s32 $0xFFFFC000  }
0x22: {  	[spmem:s9] =	stream.linear.scatter [tilespmem:s17], [sflag:$0x2], $0x4000, $0x38;
	[tilespmem:$0x1D000] =	vst v63  }
0x23: {  	_ =	swait.ge [sflag:s15], $0x4000  }
0x24: {  	[sflag:s15] =	ssyncset.done $0x0  }
0x25: {  	[sflag:s15] =	ssyncadd.s32 $0xFFFFC000  }
0x26: {  	[spmem:s10] =	stream.linear.scatter [tilespmem:s17], [sflag:$0x2], $0x2000, $0x38;
	[tilespmem:$0x1D000] =	vst v63  }
0x27: {  	_ =	swait.ge [sflag:s15], $0x2000  }
0x28: {  	[sflag:s15] =	ssyncset.done $0x0  }
0x29: {  	[sflag:s15] =	ssyncadd.s32 $0xFFFFE000  }
0x2a: {  	s21 =	simm.s32 $0x0;
	[bflag:$0x0] =	sbarrier.arrive $0xFFFF  }
0x2b: {  	[tilespmem:s17], [sflag:$0x1] =	stream.indirect.gather [hbm4b:s0+s18], $0x80, s21, s18, $0xb8;
	[tilespmem:$0x1D000] =	vst v63  }
0x2c: {  	_ =	swait.ge [sflag:s19], $0x4000  }
0x2d: {  	[sflag:s19] =	ssyncset.done $0x0  }
0x2e: {  	s31 =	simm.s32 $0x2800;
	[sflag:s19] =	ssyncadd.s32 $0xFFFFC000  }
0x2f: {  	[spmem:s3] =	stream.indirect.scatter.add.f32 [tilespmem:s17], [sflag:$0x2], $0x80, s31, s18, $0xb8;
	[tilespmem:$0x1D000] =	vst v63  }
0x30: {  	_ =	swait.ge [sflag:s15], $0x4000  }
0x31: {  	s22 =	simm.s32 $0x400;
	s21 =	simm.s32 $0x200;
	[sflag:s15] =	ssyncset.done $0x0  }
.LBB2_2:
0x32: {  	s23 =	sshra.s32 s21, $0x2  }
0x33: {  	[sflag:s15] =	ssyncadd.s32 $0xFFFFC000;
	s21 =	smov.u32 s22;
	s24 =	sadd.s32 $0x200, s22  }
0x34: {  	[tilespmem:s17], [sflag:$0x1] =	stream.indirect.gather [hbm4b:s0+s18], $0x80, s23, s18, $0xb8;
	[tilespmem:$0x1D000] =	vst v63  }
0x35: {  	p0 =	sne.s32 s22, $0x9E00;
	_ =	swait.ge [sflag:s19], $0x4000  }
.Ltmp0:
0x36: {  	[sflag:s19] =	ssyncset.done $0x0;
	(pc) =	sbr.rel @p0 .LBB2_2-.Ltmp0, $4  }
0x37: {  	s22 =	sadd.s32 $0x2800, s23;
	[sflag:s19] =	ssyncadd.s32 $0xFFFFC000  }
0x38: {  	[spmem:s3] =	stream.indirect.scatter.add.f32 [tilespmem:s17], [sflag:$0x2], $0x80, s22, s18, $0xb8;
	[tilespmem:$0x1D000] =	vst v63  }
0x39: {  	_ =	swait.ge [sflag:s15], $0x4000  }
0x3a: {  	s22 =	smov.u32 s24;
	[sflag:s15] =	ssyncset.done $0x0  }
0x3b: {  	s21 =	sshra.s32 s21, $0x2;
	[sflag:s15] =	ssyncadd.s32 $0xFFFFC000  }
0x3c: {  	[tilespmem:s17], [sflag:$0x1] =	stream.indirect.gather [hbm4b:s0+s18], $0x80, s21, s18, $0xb8;
	[tilespmem:$0x1D000] =	vst v63  }
0x3d: {  	_ =	swait.ge [sflag:s19], $0x4000  }
0x3e: {  	[sflag:s19] =	ssyncset.done $0x0  }
0x3f: {  	s21 =	sadd.s32 $0x2800, s21;
	[sflag:s19] =	ssyncadd.s32 $0xFFFFC000  }
0x40: {  	[spmem:s3] =	stream.indirect.scatter.add.f32 [tilespmem:s17], [sflag:$0x2], $0x80, s21, s18, $0xb8;
	[tilespmem:$0x1D000] =	vst v63  }
0x41: {  	_ =	swait.ge [sflag:s15], $0x4000  }
0x42: {  	[sflag:s15] =	ssyncset.done $0x0  }
0x43: {  	[sflag:s15] =	ssyncadd.s32 $0xFFFFC000  }
0x44: {  	[bflag:$0x0] =	sbarrier.arrive $0xFFFF  }
0x45: {  	[tilespmem:s17], [sflag:$0x2] =	stream.linear.gather [spmem:s8], $0x4000, $0x38;
	[tilespmem:$0x1D000] =	vst v63  }
0x46: {  	_ =	swait.ge [sflag:s15], $0x4000  }
0x47: {  	[sflag:s15] =	ssyncset.done $0x0  }
0x48: {  	[sflag:s15] =	ssyncadd.s32 $0xFFFFC000  }
0x49: {  	[hbm4b:s11+s4] =	stream.linear.scatter [tilespmem:s17], [sflag:$0x2], $0x4000, $0x38;
	[tilespmem:$0x1D000] =	vst v63  }
0x4a: {  	_ =	swait.ge [sflag:s15], $0x4000  }
0x4b: {  	[sflag:s15] =	ssyncset.done $0x0  }
0x4c: {  	[sflag:s15] =	ssyncadd.s32 $0xFFFFC000  }
0x4d: {  	[tilespmem:s17], [sflag:$0x2] =	stream.linear.gather [spmem:s9], $0x4000, $0x38;
	[tilespmem:$0x1D000] =	vst v63  }
0x4e: {  	_ =	swait.ge [sflag:s15], $0x4000  }
0x4f: {  	[sflag:s15] =	ssyncset.done $0x0  }
0x50: {  	[sflag:s15] =	ssyncadd.s32 $0xFFFFC000  }
0x51: {  	[hbm4b:s12+s4] =	stream.linear.scatter [tilespmem:s17], [sflag:$0x2], $0x4000, $0x38;
	[tilespmem:$0x1D000] =	vst v63  }
0x52: {  	_ =	swait.ge [sflag:s15], $0x4000  }
0x53: {  	[sflag:s15] =	ssyncset.done $0x0  }
0x54: {  	[sflag:s15] =	ssyncadd.s32 $0xFFFFC000  }
0x55: {  	[tilespmem:s17], [sflag:$0x2] =	stream.linear.gather [spmem:s10], $0x2000, $0x38;
	[tilespmem:$0x1D000] =	vst v63  }
0x56: {  	s20 =	sadd.s32 $0x1, s20;
	_ =	swait.ge [sflag:s15], $0x2000  }
0x57: {  	p0 =	sne.s32 s20, s14;
	[sflag:s15] =	ssyncset.done $0x0  }
.Ltmp1:
0x58: {  	[sflag:s15] =	ssyncadd.s32 $0xFFFFE000;
	(pc) =	sbr.rel @p0 .LBB2_1-.Ltmp1, $4  }
0x59: {  	[hbm4b:s13+s4] =	stream.linear.scatter [tilespmem:s17], [sflag:$0x2], $0x2000, $0x38;
	[tilespmem:$0x1D000] =	vst v63  }
0x5a: {  	_ =	swait.ge [sflag:s15], $0x2000  }
0x5b: {  	[sflag:s15] =	ssyncset.done $0x0  }
0x5c: {  	[sflag:s15] =	ssyncadd.s32 $0xFFFFE000  }
0x5d: {  	_ =	sfence.sel $0x180000  }
0x5e: {  	[bflag:$0x0] =	sbarrier.arrive $0xFFFF  }
0x5f: {  	p0 =	sne.s32 s2, $0x0;
	_ =	strace $0x9000004D  }
0x60: {  	s0 =	sadd.s32 @!p0 $0x100000, s1;
	[bflag:$0x2] =	sbarrier.arrive $0xFFFF  }
0x61: {  	[sflag:s0] =	ssyncadd.tile.s32 @!p0 $0x1;
	_ =	shalt  }
.Lfunc_end2:
_tile_overlayer_lowered:
.L_overlay_start_2:
0x62: {  	(tag) =	ssettag $0x2  }
0x63: {  	s0 =	rddreg [dreg:$0x0];
	s2 =	stileid.u32  }
0x64: {  	s1 =	rddreg [dreg:$0x1];
	p0 =	sne.s32 s2, $0x0  }
0x65: {  	s3 =	rddreg [dreg:$0x2];
	[bflag:$0x3] =	sbarrier.arrive $0xFFFF;
	s2 =	simm.s32 @!p0 $0x1C02  }
0x66: {  	[timem:s3], [sflag:s2] =	dma.local @!p0 [hbm:s0], s1  }
0x67: {  	s0 =	simm.s32 @!p0 $0x2  }
0x68: {  	_ =	swait.ge @!p0 [sflag:s0], s1  }
0x69: {  	s1 =	ssub.s32 @!p0 $0x0, s1;
	[sflag:s0] =	ssyncset.done @!p0 $0x0  }
0x6a: {  	[sflag:s0] =	ssyncadd.s32 @!p0 s1  }
0x6b: {  	[bflag:$0x3] =	sbarrier.arrive $0xFFFF  }
0x6c: {  	_ =	shalt  }

// kernel: kernel.9.cloned.1.call-start
scs
__scs_entry_jumppad:
0x0: {  	(pc) =	sbr.rel $0x88, $3  }
0x1: {  	(tag) =	ssettag $0x0;
	lr =	simm.s32 $0x1  }
0x2: {  	[smem:$0x3F96] =	sst lr;
	_ =	strace $0xD0000000  }
0x3: {  	_ = 	snop  }
0x4: {  	_ = 	snop  }
0x5: {  	_ = 	snop  }
0x6: {  	_ = 	snop  }
0x7: {  	_ = 	snop  }
__scs_overlays_trampoline_lowered:
0x8: {  	[smem:$0x3FA5] =	sst s0  }
0x9: {  	[smem:$0x3FA6] =	sst s1  }
0xa: {  	[smem:$0x3FA7] =	sst s2  }
0xb: {  	[smem:$0x3FA8] =	sst s3  }
0xc: {  	[smem:$0x3FA9] =	sst s4  }
0xd: {  	[smem:$0x3FAA] =	sst s5  }
0xe: {  	[smem:$0x3FAB] =	sst s6  }
0xf: {  	[smem:$0x3FAC] =	sst s7  }
0x10: {  	[smem:$0x3FAD] =	sst s8  }
0x11: {  	[smem:$0x3FAE] =	sst s9;
	s0 =	simm.s32 @!p0 $0x0  }
0x12: {  	s1 =	sld [smem:$0x3F94];
	s0 =	simm.s32 @p0 $0x1  }
0x13: {  	[smem:$0x3FAF] =	sst s0;
	s0 =	simm.s32 @!p1 $0x0  }
0x14: {  	s2 =	sld [smem:$0x3F93];
	s0 =	simm.s32 @p1 $0x1  }
0x15: {  	[smem:$0x3FB0] =	sst s0;
	s0 =	simm.s32 @!p2 $0x0  }
0x16: {  	s3 =	sld [smem:$0x3FDB];
	s0 =	simm.s32 @p2 $0x1  }
0x17: {  	s4 =	simm.s32 $0x1BF5;
	[smem:$0x3FB2] =	sst s0  }
0x18: {  	s0 =	sld [smem:$0x3F95];
	_ =	swait.ge [sflag:s4], $0x0  }
0x19: {  	s7 =	sld [smem:$0x3F96]  }
0x1a: {  	s8 =	sadd.s32 $0xFFFFE003, lr  }
0x1b: {  	s9 =	sadd.s32 $0xFFFFFEF7, lr;
	s5 =	simm.s32 $0xFFFFFFFF;
	p2 =	slt.u32 s8, $0xFFFFF086  }
0x1c: {  	p1 =	slt.u32 s9, $0xF7A;
	s5 =	simm.s32 @!p2 $0x0  }
0x1d: {  	s5 =	simm.s32 @p1 $0x1;
	p0 =	seq.s32 s7, s2  }
0x1e: {  	s7 =	smul.u32 @!p0 $0xF7A, s2;
	p2 =	seq.s32 @!p0 s5, $0x0  }
0x1f: {  	s9 =	smul.u32 $0xF7A, s1;
	s8 =	simm.s32 @!p0 $0x1BF5;
	p2 =	por !p2, p0  }
0x20: {  	[sflag:s8] =	ssyncset.s32 @!p0 $0xFFFFF086;
	s6 =	sadd.s32 @!p0 s3, s7;
	s7 =	simm.s32 @!p0 $0x108  }
0x21: {  	s3 =	sadd.s32 s3, s9;
	s6 =	sadd.s32 @!p0 $0x88, s6;
	s7 =	simm.s32 @p2 $0x1082  }
0x22: {  	[simem:s7], [sflag:s8] =	dma.local @!p0 [hbm:s6], $0xF7A  }
0x23: {  	s9 =	sor.u32 $0xD0000000, s2;
	s6 =	simm.s32 $0x108;
	_ =	swait.ge @!p0 [sflag:s8], $0x0  }
0x24: {  	s3 =	sadd.s32 $0x88, s3;
	s6 =	simm.s32 @!p1 $0x1082;
	[sflag:s4] =	ssyncset.s32 $0xFFFFF086  }
0x25: {  	[simem:s6], [sflag:s4] =	dma.local [hbm:s3], $0xF7A  }
0x26: {  	[smem:$0x3F96] =	sst s1;
	(tag) =	ssettag s2;
	_ =	strace s9  }
0x27: {  	s1 =	sld [smem:$0x3FA6]  }
0x28: {  	s2 =	sld [smem:$0x3FA7]  }
0x29: {  	s4 =	sld [smem:$0x3FA9]  }
0x2a: {  	p0 =	seq.s32 s5, $0x0;
	s5 =	sld [smem:$0x3FAA]  }
0x2b: {  	s6 =	sld [smem:$0x3FAB]  }
0x2c: {  	s7 =	sld [smem:$0x3FAC]  }
0x2d: {  	s3 =	simm.s32 $0x108;
	s8 =	sld [smem:$0x3FAD]  }
0x2e: {  	s3 =	simm.s32 @!p0 $0x1082;
	s9 =	sld [smem:$0x3FAE]  }
0x2f: {  	lr =	sadd.s32 s0, s3;
	s0 =	sld [smem:$0x3FA5]  }
0x30: {  	s3 =	sld [smem:$0x3FA8]  }
0x31: {  	[smem:$0x3FB1] =	sst s10  }
0x32: {  	s10 =	sld [smem:$0x3FAF];
	_ =	sdelay $0x3  }
0x33: {  	p0 =	seq.s32 s10, $0x1;
	s10 =	sld [smem:$0x3FB1];
	_ =	sdelay $0x3  }
0x34: {  	[smem:$0x3FB1] =	sst s10  }
0x35: {  	s10 =	sld [smem:$0x3FB0];
	_ =	sdelay $0x3  }
0x36: {  	p1 =	seq.s32 s10, $0x1;
	s10 =	sld [smem:$0x3FB1];
	_ =	sdelay $0x3  }
0x37: {  	[smem:$0x3FB1] =	sst s10  }
0x38: {  	s10 =	sld [smem:$0x3FB2]  }
0x39: {  	_ = 	snop;
	(pc) =	sbr.ind lr, $3  }
0x3a: {  	_ = 	snop  }
0x3b: {  	_ = 	snop  }
0x3c: {  	p2 =	seq.s32 s10, $0x1;
	s10 =	sld [smem:$0x3FB1]  }
0x3d: {  	_ =	shalt  }
0x3e: {  	_ =	shalt  }
0x3f: {  	_ =	shalt  }
0x40: {  	_ =	shalt  }
0x41: {  	_ =	shalt  }
0x42: {  	_ =	shalt  }
0x43: {  	_ =	shalt  }
0x44: {  	_ =	shalt  }
0x45: {  	_ =	shalt  }
0x46: {  	_ =	shalt  }
0x47: {  	_ =	shalt  }
0x48: {  	_ =	shalt  }
0x49: {  	_ =	shalt  }
0x4a: {  	_ =	shalt  }
0x4b: {  	_ =	shalt  }
0x4c: {  	_ =	shalt  }
0x4d: {  	_ =	shalt  }
0x4e: {  	_ =	shalt  }
0x4f: {  	_ =	shalt  }
0x50: {  	_ =	shalt  }
0x51: {  	_ =	shalt  }
0x52: {  	_ =	shalt  }
0x53: {  	_ =	shalt  }
0x54: {  	_ =	shalt  }
0x55: {  	_ =	shalt  }
0x56: {  	_ =	shalt  }
0x57: {  	_ =	shalt  }
0x58: {  	_ =	shalt  }
0x59: {  	_ =	shalt  }
0x5a: {  	_ =	shalt  }
0x5b: {  	_ =	shalt  }
0x5c: {  	_ =	shalt  }
0x5d: {  	_ =	shalt  }
0x5e: {  	_ =	shalt  }
0x5f: {  	_ =	shalt  }
0x60: {  	_ =	shalt  }
0x61: {  	_ =	shalt  }
0x62: {  	_ =	shalt  }
0x63: {  	_ =	shalt  }
0x64: {  	_ =	shalt  }
0x65: {  	_ =	shalt  }
0x66: {  	_ =	shalt  }
0x67: {  	_ =	shalt  }
0x68: {  	_ =	shalt  }
0x69: {  	_ =	shalt  }
0x6a: {  	_ =	shalt  }
0x6b: {  	_ =	shalt  }
0x6c: {  	_ =	shalt  }
0x6d: {  	_ =	shalt  }
0x6e: {  	_ =	shalt  }
0x6f: {  	_ =	shalt  }
0x70: {  	_ =	shalt  }
0x71: {  	_ =	shalt  }
0x72: {  	_ =	shalt  }
0x73: {  	_ =	shalt  }
0x74: {  	_ =	shalt  }
0x75: {  	_ =	shalt  }
0x76: {  	_ =	shalt  }
0x77: {  	_ =	shalt  }
0x78: {  	_ =	shalt  }
0x79: {  	_ =	shalt  }
0x7a: {  	_ =	shalt  }
0x7b: {  	_ =	shalt  }
0x7c: {  	_ =	shalt  }
0x7d: {  	_ =	shalt  }
0x7e: {  	_ =	shalt  }
0x7f: {  	_ =	shalt  }
0x80: {  	_ =	shalt  }
0x81: {  	_ =	shalt  }
0x82: {  	_ =	shalt  }
0x83: {  	_ =	shalt  }
0x84: {  	_ =	shalt  }
0x85: {  	_ =	shalt  }
0x86: {  	_ =	shalt  }
0x87: {  	_ =	shalt  }
.Lfunc_end0:
.L_simem_size_0:
called_computation_lowered:
.L_overlay_start_0:
0x88: {  	s2 =	sld [smem:$0x3FD9]  }
0x89: {  	s3 =	sld [smem:$0x3FFE];
	_ =	sdelay $0x1  }
0x8a: {  	s1 =	srdreg.scid  }
0x8b: {  	s0 =	sand.u32 $0x1, s1  }
0x8c: {  	s14 =	sshll.u32 s0, $0xA;
	s2 =	sadd.s32 s3, s2  }
0x8d: {  	s2 =	sadd.s32 s2, s14  }
0x8e: {  	[smem:$0x3FBD] =	sst s2  }
0x8f: {  	_ = 	snop  }
0x90: {  	s2 =	sld [smem:$0x3FD0];
	_ =	sdelay $0x2  }
0x91: {  	s15 =	simm.s32 $0xA;
	s4 =	simm.s32 $0x10  }
0x92: {  	[smem:s4], [sflag:s15] =	dma.local [hbm:s2], $0x1  }
0x93: {  	_ =	swait.eq [sflag:s15], $0x1  }
0x94: {  	[sflag:s15] =	ssyncset.done $0x0  }
0x95: {  	s16 =	sld [smem:$0x10];
	[sflag:s15] =	ssyncadd.s32 $0xFFFFFFFF  }
0x96: {  	s17 =	sld [smem:$0x11];
	(tm) =	ssettm $0x1  }
0x97: {  	s18 =	sld [smem:$0x3FFB];
	_ =	sdelay $0x3  }
0x98: {  	_ =	strace s18  }
0x99: {  	s4 =	sld [smem:$0x3FFC];
	_ =	sdelay $0x3  }
0x9a: {  	_ =	strace s4  }
0x9b: {  	s4 =	sld [smem:$0x3FFD];
	_ =	sdelay $0x3  }
0x9c: {  	_ =	strace s4  }
0x9d: {  	_ =	strace $0x8FFFFFFF  }
0x9e: {  	s19 =	sld [smem:$0x3FDB];
	_ =	sdelay $0x1  }
0x9f: {  	s5 =	simm.s32 $_scs_section_size  }
0xa0: {  	s6 =	simm.s32 $_size__tile_overlayer_lowered;
	s7 =	simm.s32 $_tile_overlayer_lowered  }
0xa1: {  	s22 =	simm.s32 $0x1BFF;
	s21 =	sshll.u32 s7, $0x1;
	s4 =	sadd.s32 s5, s19  }
0xa2: {  	s8 =	simm.s32 $0x0;
	s20 =	sshll.u32 s6, $0x1;
	s6 =	sadd.s32 s21, s4  }
0xa3: {  	[timem:s8], [sflag:s22] =	dma.local [hbm:s6], s20  }
0xa4: {  	_ =	swait.ge [sflag:s22], s20  }
0xa5: {  	s5 =	ssub.s32 $0x0, s20;
	[sflag:s22] =	ssyncset.done $0x0  }
0xa6: {  	[sflag:s22] =	ssyncadd.s32 s5;
	_ =	sdelay $0x1  }
0xa7: {  	s23 =	simm.s32 $0x1B8B  }
0xa8: {  	_ =	swait.ge [sflag:s23], $0x1  }
0xa9: {  	[sflag:s23] =	ssyncset.done $0x0  }
0xaa: {  	s25 =	simm.s32 $0x1B8E;
	s24 =	sld [smem:$0x3FFE];
	[sflag:s23] =	ssyncadd.s32 $0xFFFFFFFF  }
0xab: {  	s26 =	simm.s32 $execute0_lowered;
	[smem:$0x3FD2] =	sst s25  }
0xac: {  	s6 =	sshll.u32 s26, $0x1;
	_ =	strace $0x80000046;
	[dreg:$0x1] =	wrdreg $0xFFFFFFFF  }
0xad: {  	s28 =	simm.s32 $_size_execute0_lowered;
	s4 =	sadd.s32 s4, s6;
	[dreg:$0x0] =	wrdreg $0x0  }
0xae: {  	s6 =	sshll.u32 s28, $0x1;
	[dreg:$0x2] =	wrdreg s4  }
0xaf: {  	[dreg:$0x3] =	wrdreg s6  }
0xb0: {  	[dreg:$0x4] =	wrdreg $0xC0  }
0xb1: {  	_ =	task [dreg:s8], $0x5FFFF  }
0xb2: {  	[dreg:$0x1] =	wrdreg $0xFFFFFFFF  }
0xb3: {  	[dreg:$0x0] =	wrdreg $0x60  }
0xb4: {  	[dreg:$0x2] =	wrdreg s24  }
0xb5: {  	[dreg:$0x3] =	wrdreg s16  }
0xb6: {  	[dreg:$0x4] =	wrdreg s17  }
0xb7: {  	[dreg:$0x5] =	wrdreg $0x68000  }
0xb8: {  	[dreg:$0x6] =	wrdreg $0x9  }
0xb9: {  	_ =	task.clear_ibuf [dreg:s8], $0x7FFFF;
	_ =	strace $0x90000046  }
0xba: {  	s29 =	simm.s32 $0x9;
	_ =	strace $0x80000048  }
0xbb: {  	_ =	swait.ge [sflag:s29], $0x1  }
0xbc: {  	[sflag:s29] =	ssyncadd.s32 $0xFFFFFFFF  }
0xbd: {  	_ =	strace $0x90000048  }
0xbe: {  	_ =	sfence  }
0xbf: {  	s30 =	sld [smem:$0x0];
	_ =	sdelay $0x2  }
0xc0: {  	s31 =	sshll.u32 s1, $0xD;
	s1 =	sshrl.u32 s1, $0x2  }
0xc1: {  	s3 =	sand.u32 $0x4000, s31;
	s1 =	sadd.s32 s1, s30  }
0xc2: {  	s0 =	sor.u32 s3, s0;
	s1 =	sshll.u32 s1, $0x11  }
0xc3: {  	s0 =	sor.u32 s1, s0  }
0xc4: {  	s0 =	sadd.s32 $0x8F2B, s0  }
0xc5: {  	[sflag:s0] =	ssyncadd.remote.s32 $0x1  }
0xc6: {  	_ =	sfence.sel $0xFFFF  }
0xc7: {  	[dreg:$0x0] =	wrdreg $0xFFFFFFFF;
	(pc) =	sbr.abs _section_cstart, $3  }
0xc8: {  	[dreg:$0x1] =	wrdreg $0xFFFFFFFF  }
0xc9: {  	_ =	task.clear_ibuf [dreg:s8], $0x2FFFF;
	_ =	strace $0x9FFFFFFF  }
0xca: {  	(tm) =	ssettm $0x7FFFFFFF  }
0xcb: {  	_ =	shalt  }
tec
execute0_lowered:
.L_overlay_start_1:
0x0: {  	(tag) =	ssettag $0x1  }
0x1: {  	s5 =	rddreg [dreg:$0x0]  }
0x2: {  	s0 =	rddreg [dreg:$0x1]  }
0x3: {  	s1 =	srdreg.scid;
	s12 =	rddreg [dreg:$0x2]  }
0x4: {  	s3 =	rddreg [dreg:$0x3];
	s2 =	stileid.u32;
	s4 =	simm.s32 $0x0  }
0x5: {  	s7 =	sand.u32 $0x1, s1;
	s1 =	rddreg [dreg:$0x4];
	s9 =	smul.u32 $0x28000, s2  }
0x6: {  	s17 =	simm.s32 $0x0;
	[smem:$0x7FF] =	sst s4;
	s11 =	smul.u32 $0xA000, s2  }
0x7: {  	s6 =	sshll.u32 s7, $0x4;
	_ =	strace $0x80000047;
	s8 =	ssub.s32 $0x2, s7  }
0x8: {  	s14 =	smul.u32 $0x140000, s7;
	s6 =	sor.u32 s2, s6;
	s10 =	sshrl.u32 s8, $0x1  }
0x9: {  	s30 =	sshrl.u32 s9, $0x2;
	s31 =	sadd.s32 $0x4000, s11;
	s15 =	sadd.s32 $0x8000, s11  }
0xa: {  	s6 =	smul.u32 $0x500, s6;
	s13 =	ssub.s32 s8, s10;
	s7 =	sadd.s32 s30, s3  }
0xb: {  	s8 =	sadd.s32 s31, s3;
	s9 =	sadd.s32 s15, s3;
	s11 =	sadd.s32 s11, s14  }
0xc: {  	s10 =	sadd.s32 s14, s31;
	s14 =	sadd.s32 s14, s15;
	s15 =	simm.s32 $0x2800  }
0xd: {  	s11 =	sshrl.u32 s11, $0x3;
	s16 =	sshrl.u32 s10, $0x3;
	s14 =	sshrl.u32 s14, $0x3  }
0xe: {  	s13 =	smax.u32 s13, $0x1;
	s6 =	sadd.s32 s6, s5;
	s5 =	sadd.s32 $0xE000, s5  }
0xf: {  	s10 =	sadd.s32 s12, s11;
	s11 =	sadd.s32 s12, s16;
	s12 =	sadd.s32 s12, s14  }
0x10: {  	s14 =	simm.s32 $0x1;
	s16 =	simm.s32 $0x80;
	s6 =	sadd.s32 $0x4000, s6  }
.LBB2_1:
0x11: {  	[tilespmem:s4], [sflag:$0x1] =	stream.linear.gather [hbm4b:s6+s4], $0x2800, $0x38;
	[tilespmem:$0x1A800] =	vst v63  }
0x12: {  	_ =	swait.ge [sflag:s14], $0x2800  }
0x13: {  	[sflag:s14] =	ssyncset.done $0x0  }
0x14: {  	[sflag:s14] =	ssyncadd.s32 $0xFFFFD800  }
0x15: {  	[tilespmem:s15], [sflag:$0x1] =	stream.linear.gather [hbm4b:s5+s4], $0x4000, $0x38;
	[tilespmem:$0x1A800] =	vst v63  }
0x16: {  	_ =	swait.ge [sflag:s14], $0x4000  }
0x17: {  	[sflag:s14] =	ssyncset.done $0x0  }
0x18: {  	[sflag:s14] =	ssyncadd.s32 $0xFFFFC000  }
0x19: {  	[spmem:s7] =	stream.linear.scatter [tilespmem:s15], [sflag:$0x1], $0x4000, $0x38;
	[tilespmem:$0x1A800] =	vst v63  }
0x1a: {  	_ =	swait.ge [sflag:s14], $0x4000  }
0x1b: {  	[sflag:s14] =	ssyncset.done $0x0  }
0x1c: {  	[sflag:s14] =	ssyncadd.s32 $0xFFFFC000  }
0x1d: {  	[spmem:s8] =	stream.linear.scatter [tilespmem:s15], [sflag:$0x1], $0x4000, $0x38;
	[tilespmem:$0x1A800] =	vst v63  }
0x1e: {  	_ =	swait.ge [sflag:s14], $0x4000  }
0x1f: {  	[sflag:s14] =	ssyncset.done $0x0  }
0x20: {  	[sflag:s14] =	ssyncadd.s32 $0xFFFFC000  }
0x21: {  	[spmem:s9] =	stream.linear.scatter [tilespmem:s15], [sflag:$0x1], $0x2000, $0x38;
	[tilespmem:$0x1A800] =	vst v63  }
0x22: {  	_ =	swait.ge [sflag:s14], $0x2000  }
0x23: {  	[sflag:s14] =	ssyncset.done $0x0  }
0x24: {  	[sflag:s14] =	ssyncadd.s32 $0xFFFFE000  }
0x25: {  	[tilespmem:s15], [sflag:$0x1] =	stream.linear.gather [hbm4b:s0+s4], $0x4000, $0x38;
	[tilespmem:$0x1A800] =	vst v63  }
0x26: {  	_ =	swait.ge [sflag:s14], $0x4000  }
0x27: {  	[sflag:s14] =	ssyncset.done $0x0  }
0x28: {  	[sflag:s14] =	ssyncadd.s32 $0xFFFFC000  }
0x29: {  	s18 =	simm.s32 $0x0;
	[bflag:$0x0] =	sbarrier.arrive $0xFFFF  }
0x2a: {  	[spmem:s3] =	stream.indirect.scatter.add.f32 [tilespmem:s15], [sflag:$0x1], $0x80, s18, s16, $0xb8;
	[tilespmem:$0x1A800] =	vst v63  }
0x2b: {  	_ =	swait.ge [sflag:s14], $0x4000  }
0x2c: {  	s18 =	simm.s32 $0x200;
	[sflag:s14] =	ssyncset.done $0x0  }
.LBB2_2:
0x2d: {  	s19 =	sshra.s32 s18, $0x2;
	[sflag:s14] =	ssyncadd.s32 $0xFFFFC000;
	p0 =	sne.s32 s18, $0x9E00  }
0x2e: {  	[spmem:s3] =	stream.indirect.scatter.add.f32 [tilespmem:s15], [sflag:$0x1], $0x80, s19, s16, $0xb8;
	[tilespmem:$0x1A800] =	vst v63  }
.Ltmp0:
0x2f: {  	_ = 	snop;
	(pc) =	sbr.rel @p0 .LBB2_2-.Ltmp0, $4  }
0x30: {  	_ = 	snop  }
0x31: {  	s18 =	sadd.s32 $0x200, s18  }
0x32: {  	_ =	swait.ge [sflag:s14], $0x4000  }
0x33: {  	[sflag:s14] =	ssyncset.done $0x0  }
0x34: {  	[sflag:s14] =	ssyncadd.s32 $0xFFFFC000  }
0x35: {  	[bflag:$0x0] =	sbarrier.arrive $0xFFFF  }
0x36: {  	[tilespmem:s15], [sflag:$0x1] =	stream.linear.gather [spmem:s7], $0x4000, $0x38;
	[tilespmem:$0x1A800] =	vst v63  }
0x37: {  	_ =	swait.ge [sflag:s14], $0x4000  }
0x38: {  	[sflag:s14] =	ssyncset.done $0x0  }
0x39: {  	[sflag:s14] =	ssyncadd.s32 $0xFFFFC000  }
0x3a: {  	[hbm4b:s10+s4] =	stream.linear.scatter [tilespmem:s15], [sflag:$0x1], $0x4000, $0x38;
	[tilespmem:$0x1A800] =	vst v63  }
0x3b: {  	_ =	swait.ge [sflag:s14], $0x4000  }
0x3c: {  	[sflag:s14] =	ssyncset.done $0x0  }
0x3d: {  	[sflag:s14] =	ssyncadd.s32 $0xFFFFC000  }
0x3e: {  	[tilespmem:s15], [sflag:$0x1] =	stream.linear.gather [spmem:s8], $0x4000, $0x38;
	[tilespmem:$0x1A800] =	vst v63  }
0x3f: {  	_ =	swait.ge [sflag:s14], $0x4000  }
0x40: {  	[sflag:s14] =	ssyncset.done $0x0  }
0x41: {  	[sflag:s14] =	ssyncadd.s32 $0xFFFFC000  }
0x42: {  	[hbm4b:s11+s4] =	stream.linear.scatter [tilespmem:s15], [sflag:$0x1], $0x4000, $0x38;
	[tilespmem:$0x1A800] =	vst v63  }
0x43: {  	_ =	swait.ge [sflag:s14], $0x4000  }
0x44: {  	[sflag:s14] =	ssyncset.done $0x0  }
0x45: {  	[sflag:s14] =	ssyncadd.s32 $0xFFFFC000  }
0x46: {  	[tilespmem:s15], [sflag:$0x1] =	stream.linear.gather [spmem:s9], $0x2000, $0x38;
	[tilespmem:$0x1A800] =	vst v63  }
0x47: {  	s17 =	sadd.s32 $0x1, s17;
	_ =	swait.ge [sflag:s14], $0x2000  }
0x48: {  	p0 =	sne.s32 s17, s13;
	[sflag:s14] =	ssyncset.done $0x0  }
.Ltmp1:
0x49: {  	[sflag:s14] =	ssyncadd.s32 $0xFFFFE000;
	(pc) =	sbr.rel @p0 .LBB2_1-.Ltmp1, $4  }
0x4a: {  	[hbm4b:s12+s4] =	stream.linear.scatter [tilespmem:s15], [sflag:$0x1], $0x2000, $0x38;
	[tilespmem:$0x1A800] =	vst v63  }
0x4b: {  	_ =	swait.ge [sflag:s14], $0x2000  }
0x4c: {  	[sflag:s14] =	ssyncset.done $0x0  }
0x4d: {  	[sflag:s14] =	ssyncadd.s32 $0xFFFFE000  }
0x4e: {  	_ =	sfence.sel $0x180000  }
0x4f: {  	[bflag:$0x0] =	sbarrier.arrive $0xFFFF  }
0x50: {  	p0 =	sne.s32 s2, $0x0;
	_ =	strace $0x90000047  }
0x51: {  	s0 =	sadd.s32 @!p0 $0x100000, s1;
	[bflag:$0x2] =	sbarrier.arrive $0xFFFF  }
0x52: {  	[sflag:s0] =	ssyncadd.tile.s32 @!p0 $0x1;
	_ =	shalt  }
.Lfunc_end2:
_tile_overlayer_lowered:
.L_overlay_start_2:
0x53: {  	(tag) =	ssettag $0x2  }
0x54: {  	s0 =	rddreg [dreg:$0x0];
	s2 =	stileid.u32  }
0x55: {  	s1 =	rddreg [dreg:$0x1];
	p0 =	sne.s32 s2, $0x0  }
0x56: {  	s3 =	rddreg [dreg:$0x2];
	[bflag:$0x3] =	sbarrier.arrive $0xFFFF;
	s2 =	simm.s32 @!p0 $0x1C01  }
0x57: {  	[timem:s3], [sflag:s2] =	dma.local @!p0 [hbm:s0], s1  }
0x58: {  	s0 =	simm.s32 @!p0 $0x1  }
0x59: {  	_ =	swait.ge @!p0 [sflag:s0], s1  }
0x5a: {  	s1 =	ssub.s32 @!p0 $0x0, s1;
	[sflag:s0] =	ssyncset.done @!p0 $0x0  }
0x5b: {  	[sflag:s0] =	ssyncadd.s32 @!p0 s1  }
0x5c: {  	[bflag:$0x3] =	sbarrier.arrive $0xFFFF  }
0x5d: {  	_ =	shalt  }

</sc_bundles>
